<compile_context>
chip_gen: v7x
topology: tpu7x:2x2x1
jax: 0.10.2.dev20260603
libtpu: 0.0.44.dev20260713+nightly
codegen_flags: <defaults>
</compile_context>

<pallas_src>
import functools

import jax
import jax.numpy as jnp
from jax import lax
from jax.experimental import pallas as pl
from jax.experimental.pallas import tpu as pltpu
from jax.experimental.pallas import tpu_sc as plsc

N_IN = 2048
N_TOTAL = 8192
C = 128
K = 4


BQ = 1024
N_HALF = N_TOTAL // 2
_NB_HALF = N_HALF // BQ


def _topk_body(qt_ref, cf_ref, sh_ref, idx_ref):
    s = sh_ref[...]
    qx = qt_ref[0:1, :] - s[0:1, 0:1]
    qy = qt_ref[1:2, :] - s[0:1, 1:2]
    cf = cf_ref[...]
    dx = qx - cf[:, 0:1]
    dy = qy - cf[:, 1:2]
    d = dx * dx + dy * dy
    jj = jnp.broadcast_to(
        lax.broadcasted_iota(jnp.int32, (N_IN, 1), 0).astype(jnp.float32),
        (N_IN, BQ))
    rows = []
    for k in range(K):
        m = jnp.min(d, axis=0, keepdims=True)
        cand = jnp.where(d == m, jj, jnp.float32(N_IN))
        amin = jnp.min(cand, axis=0, keepdims=True)
        rows.append(amin)
        if k + 1 < K:
            d = jnp.where(jj == amin, jnp.float32(jnp.inf), d)
    idx_ref[0:K, :] = jnp.concatenate(rows, axis=0).astype(jnp.int32)


def _topk_valt_body(qt_ref, cf_ref, sh_ref, v_ref, idx_ref, valt_ref):
    _topk_body(qt_ref, cf_ref, sh_ref, idx_ref)
    valt_ref[...] = v_ref[...].T


def _make_topk(half, with_valt):
    qt_spec = pl.BlockSpec((2, BQ), lambda i: (0, i + half * _NB_HALF))
    common = [
        pl.BlockSpec((N_IN, 2), lambda i: (0, 0)),
        pl.BlockSpec((1, 2), lambda i: (0, 0)),
    ]
    idx_spec = pl.BlockSpec((2 * K, BQ), lambda i: (0, i))
    idx_shape = jax.ShapeDtypeStruct((2 * K, N_HALF), jnp.int32)
    if with_valt:
        return pl.pallas_call(
            _topk_valt_body,
            grid=(_NB_HALF,),
            in_specs=[qt_spec] + common + [
                pl.BlockSpec((C, N_IN // _NB_HALF), lambda i: (0, i))],
            out_specs=(idx_spec,
                       pl.BlockSpec((N_IN // _NB_HALF, C), lambda i: (i, 0))),
            out_shape=(idx_shape,
                       jax.ShapeDtypeStruct((N_IN, C), jnp.float32)),
        )
    return pl.pallas_call(
        _topk_body,
        grid=(_NB_HALF,),
        in_specs=[qt_spec] + common,
        out_specs=idx_spec,
        out_shape=idx_shape,
    )


_topk_a = _make_topk(0, True)
_topk_b = _make_topk(1, False)


_NC = 2
_NS = 16
_NW = _NC * _NS
_QPW = N_HALF // _NW


@functools.cache
def _make_sc_gather_mean():
    @functools.partial(
        pl.kernel,
        mesh=plsc.VectorSubcoreMesh(core_axis_name="c", subcore_axis_name="s"),
        out_type=jax.ShapeDtypeStruct((N_HALF, C), jnp.float32),
        scratch_types=[
            pltpu.VMEM((K, _QPW), jnp.int32),
            pltpu.VMEM((_QPW, C), jnp.float32),
            pltpu.VMEM((_QPW, C), jnp.float32),
            pltpu.VMEM((_QPW, C), jnp.float32),
            pltpu.VMEM((_QPW, C), jnp.float32),
            pltpu.VMEM((_QPW, C), jnp.float32),
            pltpu.SemaphoreType.DMA,
            pltpu.SemaphoreType.DMA,
        ],
    )
    def _sc_gather_mean(valt_hbm, idxk_hbm, out_hbm, idx_v, g0, g1, g2, g3,
                        out_v, semI, semG):
        wid = lax.axis_index("s") * _NC + lax.axis_index("c")
        base_q = wid * _QPW

        pendI = [pltpu.async_copy(
            idxk_hbm.at[k, pl.ds(base_q, _QPW)], idx_v.at[k], semI)
            for k in range(K)]
        bufs = (g0, g1, g2, g3)
        pendG = []
        for k in range(K):
            pendI[k].wait()
            pendG.append(pltpu.async_copy(
                valt_hbm.at[idx_v.at[k]], bufs[k], semG))
        for cp in pendG:
            cp.wait()

        def one_q(q, carry):
            for c in range(C // 16):
                sl = pl.ds(c * 16, 16)
                acc = g0[q, sl] + g1[q, sl]
                acc = acc + g2[q, sl]
                acc = acc + g3[q, sl]
                out_v[q, sl] = acc * 0.25
            return carry

        lax.fori_loop(0, _QPW, one_q, 0)
        pltpu.sync_copy(out_v, out_hbm.at[pl.ds(base_q, _QPW)])

    return _sc_gather_mean



_BT = 2048
_NBT = N_TOTAL // _BT


def _tr_body(a_ref, b_ref, y_ref):
    i = pl.program_id(0)
    y_ref[...] = jnp.where(i < _NBT // 2, a_ref[...], b_ref[...]).T


_transpose = pl.pallas_call(
    _tr_body,
    grid=(_NBT,),
    in_specs=[
        pl.BlockSpec((_BT, C), lambda i: (jnp.minimum(i, _NBT // 2 - 1), 0)),
        pl.BlockSpec((_BT, C), lambda i: (jnp.maximum(i - _NBT // 2, 0), 0)),
    ],
    out_specs=pl.BlockSpec((C, _BT), lambda i: (0, i)),
    out_shape=jax.ShapeDtypeStruct((C, N_TOTAL), jnp.float32),
)


def kernel(values, coords, new_coords, shift):
    q_t = jnp.concatenate([coords.T, new_coords.T], axis=1)
    sh = shift.reshape(1, 2)
    sc_gather = _make_sc_gather_mean()
    idxk_a, valt = _topk_a(q_t, coords, sh, values)
    out_a = sc_gather(valt, idxk_a)
    idxk_b = _topk_b(q_t, coords, sh)
    out_b = sc_gather(valt, idxk_b)
    return _transpose(out_a, out_b)

# --- scband reference (transcript-rebuilt; emitter-appended) ---
"""Pipeline reference for scband-upsample-17961553232405 (READ-ONLY COPY).

The authoritative reference and input builder live on the scoring server;
editing this copy changes nothing except your own understanding.
"""

import jax, jax.numpy as jnp
import numpy as np

SCALE = 4
SPACING = (0.001, 0.001)

def setup_inputs(seed: int = 0) -> dict:
    key = jax.random.key(seed)
    k1, k2, k3 = jax.random.split(key, 3)
    C, N_in = 128, 2048
    N_new = N_in * (SCALE - 1)
    values = jax.random.normal(k1, (C, N_in), dtype=jnp.float32)
    coords = jax.random.uniform(k2, (N_in, 2), dtype=jnp.float32)
    new_coords = jax.random.uniform(k3, (N_new, 2), dtype=jnp.float32)
    # buffer 'shift' for mode='k-NN': torch.tensor((spacing[0], spacing[1]))
    shift = jnp.array([SPACING[0], SPACING[1]], dtype=jnp.float32)
    return {"values": values, "coords": coords, "new_coords": new_coords, "shift": shift}

def reference(values, coords, new_coords, shift):
    # upsample_nn with layer.mode == 'k-NN':
    # inr.sampled_coords = cat(coords, new_coords)
    all_coords = jnp.concatenate([coords, new_coords], axis=0)
    # Diffs = ((all_coords - shift).unsqueeze(1) - coords.unsqueeze(0)).norm(dim=-1)
    diff = (all_coords - shift)[:, None, :] - coords[None, :, :]
    dists = jnp.sqrt(jnp.sum(diff * diff, axis=-1))  # [N_total, N_in]
    # topk(k=scale, largest=False) -> indices of the k smallest distances
    _, idx = jax.lax.top_k(-dists, SCALE)  # [N_total, k]
    # values[:, idx].mean(2)
    gathered = jnp.take(values, idx, axis=1)  # [C, N_total, k]
    return jnp.mean(gathered, axis=2)  # [C, N_total]

if __name__ == "__main__":
    import jax
    _d = setup_inputs()
    print(jax.jit(kernel)(*tuple(_d.values())))

</pallas_src>

<mosaic_0001>
#map = affine_map<(d0, d1) -> (0, 0)>
module attributes {stable_mosaic.version = 14 : i64} {
  func.func @_sc_gather_mean(%arg0: i32, %arg1: i32, %arg2: memref<2048x128xf32, #tpu.memory_space<hbm>>, %arg3: memref<8x4096xi32, #tpu.memory_space<hbm>>, %arg4: memref<4096x128xf32, #tpu.memory_space<hbm>>, %arg5: memref<4x128xi32, #tpu.memory_space<vmem>>, %arg6: memref<128x128xf32, #tpu.memory_space<vmem>>, %arg7: memref<128x128xf32, #tpu.memory_space<vmem>>, %arg8: memref<128x128xf32, #tpu.memory_space<vmem>>, %arg9: memref<128x128xf32, #tpu.memory_space<vmem>>, %arg10: memref<128x128xf32, #tpu.memory_space<vmem>>, %arg11: memref<!tpu.dma_semaphore, #tpu.memory_space<semaphore_mem>>, %arg12: memref<!tpu.dma_semaphore, #tpu.memory_space<semaphore_mem>>) attributes {dimension_semantics = [#tpu.dimension_semantics<core_parallel>, #tpu.dimension_semantics<subcore_parallel>], iteration_bounds = array<i64: 2, 16>, scalar_prefetch = 0 : i64, scratch_operands = 8 : i64, tpu.core_type = #tpu.core_type<sc_vector_subcore>, window_params = [{transform_indices = #map}, {transform_indices = #map}, {transform_indices = #map}]} {
    %mul3A = arith.constant 2 : i32
    %mul3A_0 = arith.muli %arg1, %mul3A : i32
    %add3A = arith.addi %mul3A_0, %arg0 : i32
    %mul3A_1 = arith.constant 128 : i32
    %mul3A_2 = arith.muli %add3A, %mul3A_1 : i32
    %dma_start3A = arith.constant 0 : i32
    %dma_start3A_3 = arith.constant 0 : i32
    %dma_start3A_4 = arith.constant 0 : i32
    %dma_start3A_5 = tpu.memref_slice %arg5[%dma_start3A_3, %dma_start3A_4] : memref<4x128xi32, #tpu.memory_space<vmem>> -> memref<1x128xi32, #tpu.memory_space<vmem>>
    %dma_start3A_6 = tpu.memref_squeeze %dma_start3A_5 : memref<1x128xi32, #tpu.memory_space<vmem>> -> memref<128xi32, #tpu.memory_space<vmem>>
    %dma_start3A_7 = tpu.memref_slice %arg3[%dma_start3A, %mul3A_2] : memref<8x4096xi32, #tpu.memory_space<hbm>> -> memref<1x128xi32, #tpu.memory_space<hbm>>
    %dma_start3A_8 = tpu.memref_squeeze %dma_start3A_7 : memref<1x128xi32, #tpu.memory_space<hbm>> -> memref<128xi32, #tpu.memory_space<hbm>>
    %dma_start3A_9 = arith.constant 0 : i32
    %dma_start3A_10 = tpu.memref_slice %arg5[%dma_start3A_3, %dma_start3A_9] : memref<4x128xi32, #tpu.memory_space<vmem>> -> memref<1x128xi32, #tpu.memory_space<vmem>>
    %dma_start3A_11 = tpu.memref_squeeze %dma_start3A_10 : memref<1x128xi32, #tpu.memory_space<vmem>> -> memref<128xi32, #tpu.memory_space<vmem>>
    %dma_start3A_12 = tpu.memref_slice %arg3[%dma_start3A, %mul3A_2] : memref<8x4096xi32, #tpu.memory_space<hbm>> -> memref<1x128xi32, #tpu.memory_space<hbm>>
    %dma_start3A_13 = tpu.memref_squeeze %dma_start3A_12 : memref<1x128xi32, #tpu.memory_space<hbm>> -> memref<128xi32, #tpu.memory_space<hbm>>
    tpu.enqueue_dma source(%dma_start3A_13 : memref<128xi32, #tpu.memory_space<hbm>>) target(%dma_start3A_11 : memref<128xi32, #tpu.memory_space<vmem>>) target_semaphore(%arg11 : memref<!tpu.dma_semaphore, #tpu.memory_space<semaphore_mem>>)
    %dma_start3A_14 = arith.constant 1 : i32
    %dma_start3A_15 = arith.constant 1 : i32
    %dma_start3A_16 = arith.constant 0 : i32
    %dma_start3A_17 = tpu.memref_slice %arg5[%dma_start3A_15, %dma_start3A_16] : memref<4x128xi32, #tpu.memory_space<vmem>> -> memref<1x128xi32, #tpu.memory_space<vmem>>
    %dma_start3A_18 = tpu.memref_squeeze %dma_start3A_17 : memref<1x128xi32, #tpu.memory_space<vmem>> -> memref<128xi32, #tpu.memory_space<vmem>>
    %dma_start3A_19 = tpu.memref_slice %arg3[%dma_start3A_14, %mul3A_2] : memref<8x4096xi32, #tpu.memory_space<hbm>> -> memref<1x128xi32, #tpu.memory_space<hbm>>
    %dma_start3A_20 = tpu.memref_squeeze %dma_start3A_19 : memref<1x128xi32, #tpu.memory_space<hbm>> -> memref<128xi32, #tpu.memory_space<hbm>>
    %dma_start3A_21 = arith.constant 0 : i32
    %dma_start3A_22 = tpu.memref_slice %arg5[%dma_start3A_15, %dma_start3A_21] : memref<4x128xi32, #tpu.memory_space<vmem>> -> memref<1x128xi32, #tpu.memory_space<vmem>>
    %dma_start3A_23 = tpu.memref_squeeze %dma_start3A_22 : memref<1x128xi32, #tpu.memory_space<vmem>> -> memref<128xi32, #tpu.memory_space<vmem>>
    %dma_start3A_24 = tpu.memref_slice %arg3[%dma_start3A_14, %mul3A_2] : memref<8x4096xi32, #tpu.memory_space<hbm>> -> memref<1x128xi32, #tpu.memory_space<hbm>>
    %dma_start3A_25 = tpu.memref_squeeze %dma_start3A_24 : memref<1x128xi32, #tpu.memory_space<hbm>> -> memref<128xi32, #tpu.memory_space<hbm>>
    tpu.enqueue_dma source(%dma_start3A_25 : memref<128xi32, #tpu.memory_space<hbm>>) target(%dma_start3A_23 : memref<128xi32, #tpu.memory_space<vmem>>) target_semaphore(%arg11 : memref<!tpu.dma_semaphore, #tpu.memory_space<semaphore_mem>>)
    %dma_start3A_26 = arith.constant 2 : i32
    %dma_start3A_27 = arith.constant 2 : i32
    %dma_start3A_28 = arith.constant 0 : i32
    %dma_start3A_29 = tpu.memref_slice %arg5[%dma_start3A_27, %dma_start3A_28] : memref<4x128xi32, #tpu.memory_space<vmem>> -> memref<1x128xi32, #tpu.memory_space<vmem>>
    %dma_start3A_30 = tpu.memref_squeeze %dma_start3A_29 : memref<1x128xi32, #tpu.memory_space<vmem>> -> memref<128xi32, #tpu.memory_space<vmem>>
    %dma_start3A_31 = tpu.memref_slice %arg3[%dma_start3A_26, %mul3A_2] : memref<8x4096xi32, #tpu.memory_space<hbm>> -> memref<1x128xi32, #tpu.memory_space<hbm>>
    %dma_start3A_32 = tpu.memref_squeeze %dma_start3A_31 : memref<1x128xi32, #tpu.memory_space<hbm>> -> memref<128xi32, #tpu.memory_space<hbm>>
    %dma_start3A_33 = arith.constant 0 : i32
    %dma_start3A_34 = tpu.memref_slice %arg5[%dma_start3A_27, %dma_start3A_33] : memref<4x128xi32, #tpu.memory_space<vmem>> -> memref<1x128xi32, #tpu.memory_space<vmem>>
    %dma_start3A_35 = tpu.memref_squeeze %dma_start3A_34 : memref<1x128xi32, #tpu.memory_space<vmem>> -> memref<128xi32, #tpu.memory_space<vmem>>
    %dma_start3A_36 = tpu.memref_slice %arg3[%dma_start3A_26, %mul3A_2] : memref<8x4096xi32, #tpu.memory_space<hbm>> -> memref<1x128xi32, #tpu.memory_space<hbm>>
    %dma_start3A_37 = tpu.memref_squeeze %dma_start3A_36 : memref<1x128xi32, #tpu.memory_space<hbm>> -> memref<128xi32, #tpu.memory_space<hbm>>
    tpu.enqueue_dma source(%dma_start3A_37 : memref<128xi32, #tpu.memory_space<hbm>>) target(%dma_start3A_35 : memref<128xi32, #tpu.memory_space<vmem>>) target_semaphore(%arg11 : memref<!tpu.dma_semaphore, #tpu.memory_space<semaphore_mem>>)
    %dma_start3A_38 = arith.constant 3 : i32
    %dma_start3A_39 = arith.constant 3 : i32
    %dma_start3A_40 = arith.constant 0 : i32
    %dma_start3A_41 = tpu.memref_slice %arg5[%dma_start3A_39, %dma_start3A_40] : memref<4x128xi32, #tpu.memory_space<vmem>> -> memref<1x128xi32, #tpu.memory_space<vmem>>
    %dma_start3A_42 = tpu.memref_squeeze %dma_start3A_41 : memref<1x128xi32, #tpu.memory_space<vmem>> -> memref<128xi32, #tpu.memory_space<vmem>>
    %dma_start3A_43 = tpu.memref_slice %arg3[%dma_start3A_38, %mul3A_2] : memref<8x4096xi32, #tpu.memory_space<hbm>> -> memref<1x128xi32, #tpu.memory_space<hbm>>
    %dma_start3A_44 = tpu.memref_squeeze %dma_start3A_43 : memref<1x128xi32, #tpu.memory_space<hbm>> -> memref<128xi32, #tpu.memory_space<hbm>>
    %dma_start3A_45 = arith.constant 0 : i32
    %dma_start3A_46 = tpu.memref_slice %arg5[%dma_start3A_39, %dma_start3A_45] : memref<4x128xi32, #tpu.memory_space<vmem>> -> memref<1x128xi32, #tpu.memory_space<vmem>>
    %dma_start3A_47 = tpu.memref_squeeze %dma_start3A_46 : memref<1x128xi32, #tpu.memory_space<vmem>> -> memref<128xi32, #tpu.memory_space<vmem>>
    %dma_start3A_48 = tpu.memref_slice %arg3[%dma_start3A_38, %mul3A_2] : memref<8x4096xi32, #tpu.memory_space<hbm>> -> memref<1x128xi32, #tpu.memory_space<hbm>>
    %dma_start3A_49 = tpu.memref_squeeze %dma_start3A_48 : memref<1x128xi32, #tpu.memory_space<hbm>> -> memref<128xi32, #tpu.memory_space<hbm>>
    tpu.enqueue_dma source(%dma_start3A_49 : memref<128xi32, #tpu.memory_space<hbm>>) target(%dma_start3A_47 : memref<128xi32, #tpu.memory_space<vmem>>) target_semaphore(%arg11 : memref<!tpu.dma_semaphore, #tpu.memory_space<semaphore_mem>>)
    %dma_wait3A = arith.constant 0 : i32
    %dma_wait3A_50 = arith.constant 0 : i32
    %dma_wait3A_51 = arith.constant 0 : i32
    %dma_wait3A_52 = tpu.memref_slice %arg5[%dma_wait3A_50, %dma_wait3A_51] : memref<4x128xi32, #tpu.memory_space<vmem>> -> memref<1x128xi32, #tpu.memory_space<vmem>>
    %dma_wait3A_53 = tpu.memref_squeeze %dma_wait3A_52 : memref<1x128xi32, #tpu.memory_space<vmem>> -> memref<128xi32, #tpu.memory_space<vmem>>
    %dma_wait3A_54 = tpu.memref_slice %arg3[%dma_wait3A, %mul3A_2] : memref<8x4096xi32, #tpu.memory_space<hbm>> -> memref<1x128xi32, #tpu.memory_space<hbm>>
    %dma_wait3A_55 = tpu.memref_squeeze %dma_wait3A_54 : memref<1x128xi32, #tpu.memory_space<hbm>> -> memref<128xi32, #tpu.memory_space<hbm>>
    %dma_wait3A_56 = arith.constant 0 : i32
    %dma_wait3A_57 = tpu.memref_slice %arg5[%dma_wait3A_50, %dma_wait3A_56] : memref<4x128xi32, #tpu.memory_space<vmem>> -> memref<1x128xi32, #tpu.memory_space<vmem>>
    %dma_wait3A_58 = tpu.memref_squeeze %dma_wait3A_57 : memref<1x128xi32, #tpu.memory_space<vmem>> -> memref<128xi32, #tpu.memory_space<vmem>>
    %dma_wait3A_59 = tpu.memref_slice %arg3[%dma_wait3A, %mul3A_2] : memref<8x4096xi32, #tpu.memory_space<hbm>> -> memref<1x128xi32, #tpu.memory_space<hbm>>
    %dma_wait3A_60 = tpu.memref_squeeze %dma_wait3A_59 : memref<1x128xi32, #tpu.memory_space<hbm>> -> memref<128xi32, #tpu.memory_space<hbm>>
    tpu.wait_dma2 semaphore(%arg11 : memref<!tpu.dma_semaphore, #tpu.memory_space<semaphore_mem>>) src(%dma_wait3A_60 : memref<128xi32, #tpu.memory_space<hbm>>) dst(%dma_wait3A_58 : memref<128xi32, #tpu.memory_space<vmem>>)
    %dma_start3A_61 = arith.constant 0 : i32
    %dma_start3A_62 = arith.constant 0 : i32
    %dma_start3A_63 = tpu.memref_slice %arg5[%dma_start3A_61, %dma_start3A_62] : memref<4x128xi32, #tpu.memory_space<vmem>> -> memref<1x128xi32, #tpu.memory_space<vmem>>
    %dma_start3A_64 = tpu.memref_squeeze %dma_start3A_63 : memref<1x128xi32, #tpu.memory_space<vmem>> -> memref<128xi32, #tpu.memory_space<vmem>>
    %dma_start3A_65 = arith.constant 0 : i32
    %dma_start3A_66 = arith.constant 0 : i32
    %dma_start3A_67 = tpu.memref_slice %arg2[%dma_start3A_65, %dma_start3A_66] : memref<2048x128xf32, #tpu.memory_space<hbm>> -> memref<2048x128xf32, #tpu.memory_space<hbm>>
    tpu.enqueue_indirect_dma source(%dma_start3A_67 : memref<2048x128xf32, #tpu.memory_space<hbm>>) target(%arg6 : memref<128x128xf32, #tpu.memory_space<vmem>>) offsets(%dma_start3A_64 : memref<128xi32, #tpu.memory_space<vmem>>) semaphore(%arg12 : memref<!tpu.dma_semaphore, #tpu.memory_space<semaphore_mem>>)
    %dma_wait3A_68 = arith.constant 1 : i32
    %dma_wait3A_69 = arith.constant 1 : i32
    %dma_wait3A_70 = arith.constant 0 : i32
    %dma_wait3A_71 = tpu.memref_slice %arg5[%dma_wait3A_69, %dma_wait3A_70] : memref<4x128xi32, #tpu.memory_space<vmem>> -> memref<1x128xi32, #tpu.memory_space<vmem>>
    %dma_wait3A_72 = tpu.memref_squeeze %dma_wait3A_71 : memref<1x128xi32, #tpu.memory_space<vmem>> -> memref<128xi32, #tpu.memory_space<vmem>>
    %dma_wait3A_73 = tpu.memref_slice %arg3[%dma_wait3A_68, %mul3A_2] : memref<8x4096xi32, #tpu.memory_space<hbm>> -> memref<1x128xi32, #tpu.memory_space<hbm>>
    %dma_wait3A_74 = tpu.memref_squeeze %dma_wait3A_73 : memref<1x128xi32, #tpu.memory_space<hbm>> -> memref<128xi32, #tpu.memory_space<hbm>>
    %dma_wait3A_75 = arith.constant 0 : i32
    %dma_wait3A_76 = tpu.memref_slice %arg5[%dma_wait3A_69, %dma_wait3A_75] : memref<4x128xi32, #tpu.memory_space<vmem>> -> memref<1x128xi32, #tpu.memory_space<vmem>>
    %dma_wait3A_77 = tpu.memref_squeeze %dma_wait3A_76 : memref<1x128xi32, #tpu.memory_space<vmem>> -> memref<128xi32, #tpu.memory_space<vmem>>
    %dma_wait3A_78 = tpu.memref_slice %arg3[%dma_wait3A_68, %mul3A_2] : memref<8x4096xi32, #tpu.memory_space<hbm>> -> memref<1x128xi32, #tpu.memory_space<hbm>>
    %dma_wait3A_79 = tpu.memref_squeeze %dma_wait3A_78 : memref<1x128xi32, #tpu.memory_space<hbm>> -> memref<128xi32, #tpu.memory_space<hbm>>
    tpu.wait_dma2 semaphore(%arg11 : memref<!tpu.dma_semaphore, #tpu.memory_space<semaphore_mem>>) src(%dma_wait3A_79 : memref<128xi32, #tpu.memory_space<hbm>>) dst(%dma_wait3A_77 : memref<128xi32, #tpu.memory_space<vmem>>)
    %dma_start3A_80 = arith.constant 1 : i32
    %dma_start3A_81 = arith.constant 0 : i32
    %dma_start3A_82 = tpu.memref_slice %arg5[%dma_start3A_80, %dma_start3A_81] : memref<4x128xi32, #tpu.memory_space<vmem>> -> memref<1x128xi32, #tpu.memory_space<vmem>>
    %dma_start3A_83 = tpu.memref_squeeze %dma_start3A_82 : memref<1x128xi32, #tpu.memory_space<vmem>> -> memref<128xi32, #tpu.memory_space<vmem>>
    %dma_start3A_84 = arith.constant 0 : i32
    %dma_start3A_85 = arith.constant 0 : i32
    %dma_start3A_86 = tpu.memref_slice %arg2[%dma_start3A_84, %dma_start3A_85] : memref<2048x128xf32, #tpu.memory_space<hbm>> -> memref<2048x128xf32, #tpu.memory_space<hbm>>
    tpu.enqueue_indirect_dma source(%dma_start3A_86 : memref<2048x128xf32, #tpu.memory_space<hbm>>) target(%arg7 : memref<128x128xf32, #tpu.memory_space<vmem>>) offsets(%dma_start3A_83 : memref<128xi32, #tpu.memory_space<vmem>>) semaphore(%arg12 : memref<!tpu.dma_semaphore, #tpu.memory_space<semaphore_mem>>)
    %dma_wait3A_87 = arith.constant 2 : i32
    %dma_wait3A_88 = arith.constant 2 : i32
    %dma_wait3A_89 = arith.constant 0 : i32
    %dma_wait3A_90 = tpu.memref_slice %arg5[%dma_wait3A_88, %dma_wait3A_89] : memref<4x128xi32, #tpu.memory_space<vmem>> -> memref<1x128xi32, #tpu.memory_space<vmem>>
    %dma_wait3A_91 = tpu.memref_squeeze %dma_wait3A_90 : memref<1x128xi32, #tpu.memory_space<vmem>> -> memref<128xi32, #tpu.memory_space<vmem>>
    %dma_wait3A_92 = tpu.memref_slice %arg3[%dma_wait3A_87, %mul3A_2] : memref<8x4096xi32, #tpu.memory_space<hbm>> -> memref<1x128xi32, #tpu.memory_space<hbm>>
    %dma_wait3A_93 = tpu.memref_squeeze %dma_wait3A_92 : memref<1x128xi32, #tpu.memory_space<hbm>> -> memref<128xi32, #tpu.memory_space<hbm>>
    %dma_wait3A_94 = arith.constant 0 : i32
    %dma_wait3A_95 = tpu.memref_slice %arg5[%dma_wait3A_88, %dma_wait3A_94] : memref<4x128xi32, #tpu.memory_space<vmem>> -> memref<1x128xi32, #tpu.memory_space<vmem>>
    %dma_wait3A_96 = tpu.memref_squeeze %dma_wait3A_95 : memref<1x128xi32, #tpu.memory_space<vmem>> -> memref<128xi32, #tpu.memory_space<vmem>>
    %dma_wait3A_97 = tpu.memref_slice %arg3[%dma_wait3A_87, %mul3A_2] : memref<8x4096xi32, #tpu.memory_space<hbm>> -> memref<1x128xi32, #tpu.memory_space<hbm>>
    %dma_wait3A_98 = tpu.memref_squeeze %dma_wait3A_97 : memref<1x128xi32, #tpu.memory_space<hbm>> -> memref<128xi32, #tpu.memory_space<hbm>>
    tpu.wait_dma2 semaphore(%arg11 : memref<!tpu.dma_semaphore, #tpu.memory_space<semaphore_mem>>) src(%dma_wait3A_98 : memref<128xi32, #tpu.memory_space<hbm>>) dst(%dma_wait3A_96 : memref<128xi32, #tpu.memory_space<vmem>>)
    %dma_start3A_99 = arith.constant 2 : i32
    %dma_start3A_100 = arith.constant 0 : i32
    %dma_start3A_101 = tpu.memref_slice %arg5[%dma_start3A_99, %dma_start3A_100] : memref<4x128xi32, #tpu.memory_space<vmem>> -> memref<1x128xi32, #tpu.memory_space<vmem>>
    %dma_start3A_102 = tpu.memref_squeeze %dma_start3A_101 : memref<1x128xi32, #tpu.memory_space<vmem>> -> memref<128xi32, #tpu.memory_space<vmem>>
    %dma_start3A_103 = arith.constant 0 : i32
    %dma_start3A_104 = arith.constant 0 : i32
    %dma_start3A_105 = tpu.memref_slice %arg2[%dma_start3A_103, %dma_start3A_104] : memref<2048x128xf32, #tpu.memory_space<hbm>> -> memref<2048x128xf32, #tpu.memory_space<hbm>>
    tpu.enqueue_indirect_dma source(%dma_start3A_105 : memref<2048x128xf32, #tpu.memory_space<hbm>>) target(%arg8 : memref<128x128xf32, #tpu.memory_space<vmem>>) offsets(%dma_start3A_102 : memref<128xi32, #tpu.memory_space<vmem>>) semaphore(%arg12 : memref<!tpu.dma_semaphore, #tpu.memory_space<semaphore_mem>>)
    %dma_wait3A_106 = arith.constant 3 : i32
    %dma_wait3A_107 = arith.constant 3 : i32
    %dma_wait3A_108 = arith.constant 0 : i32
    %dma_wait3A_109 = tpu.memref_slice %arg5[%dma_wait3A_107, %dma_wait3A_108] : memref<4x128xi32, #tpu.memory_space<vmem>> -> memref<1x128xi32, #tpu.memory_space<vmem>>
    %dma_wait3A_110 = tpu.memref_squeeze %dma_wait3A_109 : memref<1x128xi32, #tpu.memory_space<vmem>> -> memref<128xi32, #tpu.memory_space<vmem>>
    %dma_wait3A_111 = tpu.memref_slice %arg3[%dma_wait3A_106, %mul3A_2] : memref<8x4096xi32, #tpu.memory_space<hbm>> -> memref<1x128xi32, #tpu.memory_space<hbm>>
    %dma_wait3A_112 = tpu.memref_squeeze %dma_wait3A_111 : memref<1x128xi32, #tpu.memory_space<hbm>> -> memref<128xi32, #tpu.memory_space<hbm>>
    %dma_wait3A_113 = arith.constant 0 : i32
    %dma_wait3A_114 = tpu.memref_slice %arg5[%dma_wait3A_107, %dma_wait3A_113] : memref<4x128xi32, #tpu.memory_space<vmem>> -> memref<1x128xi32, #tpu.memory_space<vmem>>
    %dma_wait3A_115 = tpu.memref_squeeze %dma_wait3A_114 : memref<1x128xi32, #tpu.memory_space<vmem>> -> memref<128xi32, #tpu.memory_space<vmem>>
    %dma_wait3A_116 = tpu.memref_slice %arg3[%dma_wait3A_106, %mul3A_2] : memref<8x4096xi32, #tpu.memory_space<hbm>> -> memref<1x128xi32, #tpu.memory_space<hbm>>
    %dma_wait3A_117 = tpu.memref_squeeze %dma_wait3A_116 : memref<1x128xi32, #tpu.memory_space<hbm>> -> memref<128xi32, #tpu.memory_space<hbm>>
    tpu.wait_dma2 semaphore(%arg11 : memref<!tpu.dma_semaphore, #tpu.memory_space<semaphore_mem>>) src(%dma_wait3A_117 : memref<128xi32, #tpu.memory_space<hbm>>) dst(%dma_wait3A_115 : memref<128xi32, #tpu.memory_space<vmem>>)
    %dma_start3A_118 = arith.constant 3 : i32
    %dma_start3A_119 = arith.constant 0 : i32
    %dma_start3A_120 = tpu.memref_slice %arg5[%dma_start3A_118, %dma_start3A_119] : memref<4x128xi32, #tpu.memory_space<vmem>> -> memref<1x128xi32, #tpu.memory_space<vmem>>
    %dma_start3A_121 = tpu.memref_squeeze %dma_start3A_120 : memref<1x128xi32, #tpu.memory_space<vmem>> -> memref<128xi32, #tpu.memory_space<vmem>>
    %dma_start3A_122 = arith.constant 0 : i32
    %dma_start3A_123 = arith.constant 0 : i32
    %dma_start3A_124 = tpu.memref_slice %arg2[%dma_start3A_122, %dma_start3A_123] : memref<2048x128xf32, #tpu.memory_space<hbm>> -> memref<2048x128xf32, #tpu.memory_space<hbm>>
    tpu.enqueue_indirect_dma source(%dma_start3A_124 : memref<2048x128xf32, #tpu.memory_space<hbm>>) target(%arg9 : memref<128x128xf32, #tpu.memory_space<vmem>>) offsets(%dma_start3A_121 : memref<128xi32, #tpu.memory_space<vmem>>) semaphore(%arg12 : memref<!tpu.dma_semaphore, #tpu.memory_space<semaphore_mem>>)
    %dma_wait3A_125 = arith.constant 0 : i32
    %dma_wait3A_126 = arith.constant 0 : i32
    %dma_wait3A_127 = tpu.memref_slice %arg5[%dma_wait3A_125, %dma_wait3A_126] : memref<4x128xi32, #tpu.memory_space<vmem>> -> memref<1x128xi32, #tpu.memory_space<vmem>>
    %dma_wait3A_128 = tpu.memref_squeeze %dma_wait3A_127 : memref<1x128xi32, #tpu.memory_space<vmem>> -> memref<128xi32, #tpu.memory_space<vmem>>
    %dma_wait3A_129 = arith.constant 0 : i32
    %dma_wait3A_130 = arith.constant 0 : i32
    %dma_wait3A_131 = tpu.memref_slice %arg2[%dma_wait3A_129, %dma_wait3A_130] : memref<2048x128xf32, #tpu.memory_space<hbm>> -> memref<2048x128xf32, #tpu.memory_space<hbm>>
    tpu.wait_indirect_dma semaphore(%arg12 : memref<!tpu.dma_semaphore, #tpu.memory_space<semaphore_mem>>) src(%dma_wait3A_131 : memref<2048x128xf32, #tpu.memory_space<hbm>>) dst(%arg6 : memref<128x128xf32, #tpu.memory_space<vmem>>)
    %dma_wait3A_132 = arith.constant 1 : i32
    %dma_wait3A_133 = arith.constant 0 : i32
    %dma_wait3A_134 = tpu.memref_slice %arg5[%dma_wait3A_132, %dma_wait3A_133] : memref<4x128xi32, #tpu.memory_space<vmem>> -> memref<1x128xi32, #tpu.memory_space<vmem>>
    %dma_wait3A_135 = tpu.memref_squeeze %dma_wait3A_134 : memref<1x128xi32, #tpu.memory_space<vmem>> -> memref<128xi32, #tpu.memory_space<vmem>>
    %dma_wait3A_136 = arith.constant 0 : i32
    %dma_wait3A_137 = arith.constant 0 : i32
    %dma_wait3A_138 = tpu.memref_slice %arg2[%dma_wait3A_136, %dma_wait3A_137] : memref<2048x128xf32, #tpu.memory_space<hbm>> -> memref<2048x128xf32, #tpu.memory_space<hbm>>
    tpu.wait_indirect_dma semaphore(%arg12 : memref<!tpu.dma_semaphore, #tpu.memory_space<semaphore_mem>>) src(%dma_wait3A_138 : memref<2048x128xf32, #tpu.memory_space<hbm>>) dst(%arg7 : memref<128x128xf32, #tpu.memory_space<vmem>>)
    %dma_wait3A_139 = arith.constant 2 : i32
    %dma_wait3A_140 = arith.constant 0 : i32
    %dma_wait3A_141 = tpu.memref_slice %arg5[%dma_wait3A_139, %dma_wait3A_140] : memref<4x128xi32, #tpu.memory_space<vmem>> -> memref<1x128xi32, #tpu.memory_space<vmem>>
    %dma_wait3A_142 = tpu.memref_squeeze %dma_wait3A_141 : memref<1x128xi32, #tpu.memory_space<vmem>> -> memref<128xi32, #tpu.memory_space<vmem>>
    %dma_wait3A_143 = arith.constant 0 : i32
    %dma_wait3A_144 = arith.constant 0 : i32
    %dma_wait3A_145 = tpu.memref_slice %arg2[%dma_wait3A_143, %dma_wait3A_144] : memref<2048x128xf32, #tpu.memory_space<hbm>> -> memref<2048x128xf32, #tpu.memory_space<hbm>>
    tpu.wait_indirect_dma semaphore(%arg12 : memref<!tpu.dma_semaphore, #tpu.memory_space<semaphore_mem>>) src(%dma_wait3A_145 : memref<2048x128xf32, #tpu.memory_space<hbm>>) dst(%arg8 : memref<128x128xf32, #tpu.memory_space<vmem>>)
    %dma_wait3A_146 = arith.constant 3 : i32
    %dma_wait3A_147 = arith.constant 0 : i32
    %dma_wait3A_148 = tpu.memref_slice %arg5[%dma_wait3A_146, %dma_wait3A_147] : memref<4x128xi32, #tpu.memory_space<vmem>> -> memref<1x128xi32, #tpu.memory_space<vmem>>
    %dma_wait3A_149 = tpu.memref_squeeze %dma_wait3A_148 : memref<1x128xi32, #tpu.memory_space<vmem>> -> memref<128xi32, #tpu.memory_space<vmem>>
    %dma_wait3A_150 = arith.constant 0 : i32
    %dma_wait3A_151 = arith.constant 0 : i32
    %dma_wait3A_152 = tpu.memref_slice %arg2[%dma_wait3A_150, %dma_wait3A_151] : memref<2048x128xf32, #tpu.memory_space<hbm>> -> memref<2048x128xf32, #tpu.memory_space<hbm>>
    tpu.wait_indirect_dma semaphore(%arg12 : memref<!tpu.dma_semaphore, #tpu.memory_space<semaphore_mem>>) src(%dma_wait3A_152 : memref<2048x128xf32, #tpu.memory_space<hbm>>) dst(%arg9 : memref<128x128xf32, #tpu.memory_space<vmem>>)
    %scan3A = arith.constant 0 : i32
    %scan3A_153 = arith.constant 0 : i32
    %scan3A_154 = arith.constant 128 : i32
    %scan3A_155 = arith.addi %scan3A_153, %scan3A_154 : i32
    %scan3A_156 = arith.constant 1 : i32
    scf.for %scan3A_158 = %scan3A_153 to %scan3A_155 step %scan3A_156  : i32 {
      %get3A = arith.index_cast %scan3A_158 : i32 to index
      %get3A_159 = arith.constant 0 : index
      %get3A_160 = tpu.vector_load %arg6[%get3A, %get3A_159] {strides = array<i32>} : memref<128x128xf32, #tpu.memory_space<vmem>>, vector<1x16xf32>,
      %get3A_161 = vector.shape_cast %get3A_160 : vector<1x16xf32> to vector<16xf32>
      %get3A_162 = arith.index_cast %scan3A_158 : i32 to index
      %get3A_163 = arith.constant 0 : index
      %get3A_164 = tpu.vector_load %arg7[%get3A_162, %get3A_163] {strides = array<i32>} : memref<128x128xf32, #tpu.memory_space<vmem>>, vector<1x16xf32>,
      %get3A_165 = vector.shape_cast %get3A_164 : vector<1x16xf32> to vector<16xf32>
      %add3A_166 = arith.addf %get3A_161, %get3A_165 : vector<16xf32>
      %get3A_167 = arith.index_cast %scan3A_158 : i32 to index
      %get3A_168 = arith.constant 0 : index
      %get3A_169 = tpu.vector_load %arg8[%get3A_167, %get3A_168] {strides = array<i32>} : memref<128x128xf32, #tpu.memory_space<vmem>>, vector<1x16xf32>,
      %get3A_170 = vector.shape_cast %get3A_169 : vector<1x16xf32> to vector<16xf32>
      %add3A_171 = arith.addf %add3A_166, %get3A_170 : vector<16xf32>
      %get3A_172 = arith.index_cast %scan3A_158 : i32 to index
      %get3A_173 = arith.constant 0 : index
      %get3A_174 = tpu.vector_load %arg9[%get3A_172, %get3A_173] {strides = array<i32>} : memref<128x128xf32, #tpu.memory_space<vmem>>, vector<1x16xf32>,
      %get3A_175 = vector.shape_cast %get3A_174 : vector<1x16xf32> to vector<16xf32>
      %add3A_176 = arith.addf %add3A_171, %get3A_175 : vector<16xf32>
      %mul3A_177 = arith.constant 2.500000e-01 : f32
      %mul3A_178 = vector.broadcast %mul3A_177 : f32 to vector<16xf32>
      %mul3A_179 = arith.mulf %add3A_176, %mul3A_178 : vector<16xf32>
      %swap3A = arith.index_cast %scan3A_158 : i32 to index
      %swap3A_180 = arith.constant 0 : index
      %swap3A_181 = tpu.vector_load %arg10[%swap3A, %swap3A_180] {strides = array<i32>} : memref<128x128xf32, #tpu.memory_space<vmem>>, vector<1x16xf32>,
      %swap3A_182 = vector.shape_cast %swap3A_181 : vector<1x16xf32> to vector<16xf32>
      %swap3A_183 = vector.shape_cast %mul3A_179 : vector<16xf32> to vector<1x16xf32>
      tpu.vector_store %arg10[%swap3A, %swap3A_180], %swap3A_183 {strides = array<i32>} : memref<128x128xf32, #tpu.memory_space<vmem>>, vector<1x16xf32>,
      %get3A_184 = arith.index_cast %scan3A_158 : i32 to index
      %get3A_185 = arith.constant 16 : index
      %get3A_186 = tpu.vector_load %arg6[%get3A_184, %get3A_185] {strides = array<i32>} : memref<128x128xf32, #tpu.memory_space<vmem>>, vector<1x16xf32>,
      %get3A_187 = vector.shape_cast %get3A_186 : vector<1x16xf32> to vector<16xf32>
      %get3A_188 = arith.index_cast %scan3A_158 : i32 to index
      %get3A_189 = arith.constant 16 : index
      %get3A_190 = tpu.vector_load %arg7[%get3A_188, %get3A_189] {strides = array<i32>} : memref<128x128xf32, #tpu.memory_space<vmem>>, vector<1x16xf32>,
      %get3A_191 = vector.shape_cast %get3A_190 : vector<1x16xf32> to vector<16xf32>
      %add3A_192 = arith.addf %get3A_187, %get3A_191 : vector<16xf32>
      %get3A_193 = arith.index_cast %scan3A_158 : i32 to index
      %get3A_194 = arith.constant 16 : index
      %get3A_195 = tpu.vector_load %arg8[%get3A_193, %get3A_194] {strides = array<i32>} : memref<128x128xf32, #tpu.memory_space<vmem>>, vector<1x16xf32>,
      %get3A_196 = vector.shape_cast %get3A_195 : vector<1x16xf32> to vector<16xf32>
      %add3A_197 = arith.addf %add3A_192, %get3A_196 : vector<16xf32>
      %get3A_198 = arith.index_cast %scan3A_158 : i32 to index
      %get3A_199 = arith.constant 16 : index
      %get3A_200 = tpu.vector_load %arg9[%get3A_198, %get3A_199] {strides = array<i32>} : memref<128x128xf32, #tpu.memory_space<vmem>>, vector<1x16xf32>,
      %get3A_201 = vector.shape_cast %get3A_200 : vector<1x16xf32> to vector<16xf32>
      %add3A_202 = arith.addf %add3A_197, %get3A_201 : vector<16xf32>
      %mul3A_203 = arith.constant 2.500000e-01 : f32
      %mul3A_204 = vector.broadcast %mul3A_203 : f32 to vector<16xf32>
      %mul3A_205 = arith.mulf %add3A_202, %mul3A_204 : vector<16xf32>
      %swap3A_206 = arith.index_cast %scan3A_158 : i32 to index
      %swap3A_207 = arith.constant 16 : index
      %swap3A_208 = tpu.vector_load %arg10[%swap3A_206, %swap3A_207] {strides = array<i32>} : memref<128x128xf32, #tpu.memory_space<vmem>>, vector<1x16xf32>,
      %swap3A_209 = vector.shape_cast %swap3A_208 : vector<1x16xf32> to vector<16xf32>
      %swap3A_210 = vector.shape_cast %mul3A_205 : vector<16xf32> to vector<1x16xf32>
      tpu.vector_store %arg10[%swap3A_206, %swap3A_207], %swap3A_210 {strides = array<i32>} : memref<128x128xf32, #tpu.memory_space<vmem>>, vector<1x16xf32>,
      %get3A_211 = arith.index_cast %scan3A_158 : i32 to index
      %get3A_212 = arith.constant 32 : index
      %get3A_213 = tpu.vector_load %arg6[%get3A_211, %get3A_212] {strides = array<i32>} : memref<128x128xf32, #tpu.memory_space<vmem>>, vector<1x16xf32>,
      %get3A_214 = vector.shape_cast %get3A_213 : vector<1x16xf32> to vector<16xf32>
      %get3A_215 = arith.index_cast %scan3A_158 : i32 to index
      %get3A_216 = arith.constant 32 : index
      %get3A_217 = tpu.vector_load %arg7[%get3A_215, %get3A_216] {strides = array<i32>} : memref<128x128xf32, #tpu.memory_space<vmem>>, vector<1x16xf32>,
      %get3A_218 = vector.shape_cast %get3A_217 : vector<1x16xf32> to vector<16xf32>
      %add3A_219 = arith.addf %get3A_214, %get3A_218 : vector<16xf32>
      %get3A_220 = arith.index_cast %scan3A_158 : i32 to index
      %get3A_221 = arith.constant 32 : index
      %get3A_222 = tpu.vector_load %arg8[%get3A_220, %get3A_221] {strides = array<i32>} : memref<128x128xf32, #tpu.memory_space<vmem>>, vector<1x16xf32>,
      %get3A_223 = vector.shape_cast %get3A_222 : vector<1x16xf32> to vector<16xf32>
      %add3A_224 = arith.addf %add3A_219, %get3A_223 : vector<16xf32>
      %get3A_225 = arith.index_cast %scan3A_158 : i32 to index
      %get3A_226 = arith.constant 32 : index
      %get3A_227 = tpu.vector_load %arg9[%get3A_225, %get3A_226] {strides = array<i32>} : memref<128x128xf32, #tpu.memory_space<vmem>>, vector<1x16xf32>,
      %get3A_228 = vector.shape_cast %get3A_227 : vector<1x16xf32> to vector<16xf32>
      %add3A_229 = arith.addf %add3A_224, %get3A_228 : vector<16xf32>
      %mul3A_230 = arith.constant 2.500000e-01 : f32
      %mul3A_231 = vector.broadcast %mul3A_230 : f32 to vector<16xf32>
      %mul3A_232 = arith.mulf %add3A_229, %mul3A_231 : vector<16xf32>
      %swap3A_233 = arith.index_cast %scan3A_158 : i32 to index
      %swap3A_234 = arith.constant 32 : index
      %swap3A_235 = tpu.vector_load %arg10[%swap3A_233, %swap3A_234] {strides = array<i32>} : memref<128x128xf32, #tpu.memory_space<vmem>>, vector<1x16xf32>,
      %swap3A_236 = vector.shape_cast %swap3A_235 : vector<1x16xf32> to vector<16xf32>
      %swap3A_237 = vector.shape_cast %mul3A_232 : vector<16xf32> to vector<1x16xf32>
      tpu.vector_store %arg10[%swap3A_233, %swap3A_234], %swap3A_237 {strides = array<i32>} : memref<128x128xf32, #tpu.memory_space<vmem>>, vector<1x16xf32>,
      %get3A_238 = arith.index_cast %scan3A_158 : i32 to index
      %get3A_239 = arith.constant 48 : index
      %get3A_240 = tpu.vector_load %arg6[%get3A_238, %get3A_239] {strides = array<i32>} : memref<128x128xf32, #tpu.memory_space<vmem>>, vector<1x16xf32>,
      %get3A_241 = vector.shape_cast %get3A_240 : vector<1x16xf32> to vector<16xf32>
      %get3A_242 = arith.index_cast %scan3A_158 : i32 to index
      %get3A_243 = arith.constant 48 : index
      %get3A_244 = tpu.vector_load %arg7[%get3A_242, %get3A_243] {strides = array<i32>} : memref<128x128xf32, #tpu.memory_space<vmem>>, vector<1x16xf32>,
      %get3A_245 = vector.shape_cast %get3A_244 : vector<1x16xf32> to vector<16xf32>
      %add3A_246 = arith.addf %get3A_241, %get3A_245 : vector<16xf32>
      %get3A_247 = arith.index_cast %scan3A_158 : i32 to index
      %get3A_248 = arith.constant 48 : index
      %get3A_249 = tpu.vector_load %arg8[%get3A_247, %get3A_248] {strides = array<i32>} : memref<128x128xf32, #tpu.memory_space<vmem>>, vector<1x16xf32>,
      %get3A_250 = vector.shape_cast %get3A_249 : vector<1x16xf32> to vector<16xf32>
      %add3A_251 = arith.addf %add3A_246, %get3A_250 : vector<16xf32>
      %get3A_252 = arith.index_cast %scan3A_158 : i32 to index
      %get3A_253 = arith.constant 48 : index
      %get3A_254 = tpu.vector_load %arg9[%get3A_252, %get3A_253] {strides = array<i32>} : memref<128x128xf32, #tpu.memory_space<vmem>>, vector<1x16xf32>,
      %get3A_255 = vector.shape_cast %get3A_254 : vector<1x16xf32> to vector<16xf32>
      %add3A_256 = arith.addf %add3A_251, %get3A_255 : vector<16xf32>
      %mul3A_257 = arith.constant 2.500000e-01 : f32
      %mul3A_258 = vector.broadcast %mul3A_257 : f32 to vector<16xf32>
      %mul3A_259 = arith.mulf %add3A_256, %mul3A_258 : vector<16xf32>
      %swap3A_260 = arith.index_cast %scan3A_158 : i32 to index
      %swap3A_261 = arith.constant 48 : index
      %swap3A_262 = tpu.vector_load %arg10[%swap3A_260, %swap3A_261] {strides = array<i32>} : memref<128x128xf32, #tpu.memory_space<vmem>>, vector<1x16xf32>,
      %swap3A_263 = vector.shape_cast %swap3A_262 : vector<1x16xf32> to vector<16xf32>
      %swap3A_264 = vector.shape_cast %mul3A_259 : vector<16xf32> to vector<1x16xf32>
      tpu.vector_store %arg10[%swap3A_260, %swap3A_261], %swap3A_264 {strides = array<i32>} : memref<128x128xf32, #tpu.memory_space<vmem>>, vector<1x16xf32>,
      %get3A_265 = arith.index_cast %scan3A_158 : i32 to index
      %get3A_266 = arith.constant 64 : index
      %get3A_267 = tpu.vector_load %arg6[%get3A_265, %get3A_266] {strides = array<i32>} : memref<128x128xf32, #tpu.memory_space<vmem>>, vector<1x16xf32>,
      %get3A_268 = vector.shape_cast %get3A_267 : vector<1x16xf32> to vector<16xf32>
      %get3A_269 = arith.index_cast %scan3A_158 : i32 to index
      %get3A_270 = arith.constant 64 : index
      %get3A_271 = tpu.vector_load %arg7[%get3A_269, %get3A_270] {strides = array<i32>} : memref<128x128xf32, #tpu.memory_space<vmem>>, vector<1x16xf32>,
      %get3A_272 = vector.shape_cast %get3A_271 : vector<1x16xf32> to vector<16xf32>
      %add3A_273 = arith.addf %get3A_268, %get3A_272 : vector<16xf32>
      %get3A_274 = arith.index_cast %scan3A_158 : i32 to index
      %get3A_275 = arith.constant 64 : index
      %get3A_276 = tpu.vector_load %arg8[%get3A_274, %get3A_275] {strides = array<i32>} : memref<128x128xf32, #tpu.memory_space<vmem>>, vector<1x16xf32>,
      %get3A_277 = vector.shape_cast %get3A_276 : vector<1x16xf32> to vector<16xf32>
      %add3A_278 = arith.addf %add3A_273, %get3A_277 : vector<16xf32>
      %get3A_279 = arith.index_cast %scan3A_158 : i32 to index
      %get3A_280 = arith.constant 64 : index
      %get3A_281 = tpu.vector_load %arg9[%get3A_279, %get3A_280] {strides = array<i32>} : memref<128x128xf32, #tpu.memory_space<vmem>>, vector<1x16xf32>,
      %get3A_282 = vector.shape_cast %get3A_281 : vector<1x16xf32> to vector<16xf32>
      %add3A_283 = arith.addf %add3A_278, %get3A_282 : vector<16xf32>
      %mul3A_284 = arith.constant 2.500000e-01 : f32
      %mul3A_285 = vector.broadcast %mul3A_284 : f32 to vector<16xf32>
      %mul3A_286 = arith.mulf %add3A_283, %mul3A_285 : vector<16xf32>
      %swap3A_287 = arith.index_cast %scan3A_158 : i32 to index
      %swap3A_288 = arith.constant 64 : index
      %swap3A_289 = tpu.vector_load %arg10[%swap3A_287, %swap3A_288] {strides = array<i32>} : memref<128x128xf32, #tpu.memory_space<vmem>>, vector<1x16xf32>,
      %swap3A_290 = vector.shape_cast %swap3A_289 : vector<1x16xf32> to vector<16xf32>
      %swap3A_291 = vector.shape_cast %mul3A_286 : vector<16xf32> to vector<1x16xf32>
      tpu.vector_store %arg10[%swap3A_287, %swap3A_288], %swap3A_291 {strides = array<i32>} : memref<128x128xf32, #tpu.memory_space<vmem>>, vector<1x16xf32>,
      %get3A_292 = arith.index_cast %scan3A_158 : i32 to index
      %get3A_293 = arith.constant 80 : index
      %get3A_294 = tpu.vector_load %arg6[%get3A_292, %get3A_293] {strides = array<i32>} : memref<128x128xf32, #tpu.memory_space<vmem>>, vector<1x16xf32>,
      %get3A_295 = vector.shape_cast %get3A_294 : vector<1x16xf32> to vector<16xf32>
      %get3A_296 = arith.index_cast %scan3A_158 : i32 to index
      %get3A_297 = arith.constant 80 : index
      %get3A_298 = tpu.vector_load %arg7[%get3A_296, %get3A_297] {strides = array<i32>} : memref<128x128xf32, #tpu.memory_space<vmem>>, vector<1x16xf32>,
      %get3A_299 = vector.shape_cast %get3A_298 : vector<1x16xf32> to vector<16xf32>
      %add3A_300 = arith.addf %get3A_295, %get3A_299 : vector<16xf32>
      %get3A_301 = arith.index_cast %scan3A_158 : i32 to index
      %get3A_302 = arith.constant 80 : index
      %get3A_303 = tpu.vector_load %arg8[%get3A_301, %get3A_302] {strides = array<i32>} : memref<128x128xf32, #tpu.memory_space<vmem>>, vector<1x16xf32>,
      %get3A_304 = vector.shape_cast %get3A_303 : vector<1x16xf32> to vector<16xf32>
      %add3A_305 = arith.addf %add3A_300, %get3A_304 : vector<16xf32>
      %get3A_306 = arith.index_cast %scan3A_158 : i32 to index
      %get3A_307 = arith.constant 80 : index
      %get3A_308 = tpu.vector_load %arg9[%get3A_306, %get3A_307] {strides = array<i32>} : memref<128x128xf32, #tpu.memory_space<vmem>>, vector<1x16xf32>,
      %get3A_309 = vector.shape_cast %get3A_308 : vector<1x16xf32> to vector<16xf32>
      %add3A_310 = arith.addf %add3A_305, %get3A_309 : vector<16xf32>
      %mul3A_311 = arith.constant 2.500000e-01 : f32
      %mul3A_312 = vector.broadcast %mul3A_311 : f32 to vector<16xf32>
      %mul3A_313 = arith.mulf %add3A_310, %mul3A_312 : vector<16xf32>
      %swap3A_314 = arith.index_cast %scan3A_158 : i32 to index
      %swap3A_315 = arith.constant 80 : index
      %swap3A_316 = tpu.vector_load %arg10[%swap3A_314, %swap3A_315] {strides = array<i32>} : memref<128x128xf32, #tpu.memory_space<vmem>>, vector<1x16xf32>,
      %swap3A_317 = vector.shape_cast %swap3A_316 : vector<1x16xf32> to vector<16xf32>
      %swap3A_318 = vector.shape_cast %mul3A_313 : vector<16xf32> to vector<1x16xf32>
      tpu.vector_store %arg10[%swap3A_314, %swap3A_315], %swap3A_318 {strides = array<i32>} : memref<128x128xf32, #tpu.memory_space<vmem>>, vector<1x16xf32>,
      %get3A_319 = arith.index_cast %scan3A_158 : i32 to index
      %get3A_320 = arith.constant 96 : index
      %get3A_321 = tpu.vector_load %arg6[%get3A_319, %get3A_320] {strides = array<i32>} : memref<128x128xf32, #tpu.memory_space<vmem>>, vector<1x16xf32>,
      %get3A_322 = vector.shape_cast %get3A_321 : vector<1x16xf32> to vector<16xf32>
      %get3A_323 = arith.index_cast %scan3A_158 : i32 to index
      %get3A_324 = arith.constant 96 : index
      %get3A_325 = tpu.vector_load %arg7[%get3A_323, %get3A_324] {strides = array<i32>} : memref<128x128xf32, #tpu.memory_space<vmem>>, vector<1x16xf32>,
      %get3A_326 = vector.shape_cast %get3A_325 : vector<1x16xf32> to vector<16xf32>
      %add3A_327 = arith.addf %get3A_322, %get3A_326 : vector<16xf32>
      %get3A_328 = arith.index_cast %scan3A_158 : i32 to index
      %get3A_329 = arith.constant 96 : index
      %get3A_330 = tpu.vector_load %arg8[%get3A_328, %get3A_329] {strides = array<i32>} : memref<128x128xf32, #tpu.memory_space<vmem>>, vector<1x16xf32>,
      %get3A_331 = vector.shape_cast %get3A_330 : vector<1x16xf32> to vector<16xf32>
      %add3A_332 = arith.addf %add3A_327, %get3A_331 : vector<16xf32>
      %get3A_333 = arith.index_cast %scan3A_158 : i32 to index
      %get3A_334 = arith.constant 96 : index
      %get3A_335 = tpu.vector_load %arg9[%get3A_333, %get3A_334] {strides = array<i32>} : memref<128x128xf32, #tpu.memory_space<vmem>>, vector<1x16xf32>,
      %get3A_336 = vector.shape_cast %get3A_335 : vector<1x16xf32> to vector<16xf32>
      %add3A_337 = arith.addf %add3A_332, %get3A_336 : vector<16xf32>
      %mul3A_338 = arith.constant 2.500000e-01 : f32
      %mul3A_339 = vector.broadcast %mul3A_338 : f32 to vector<16xf32>
      %mul3A_340 = arith.mulf %add3A_337, %mul3A_339 : vector<16xf32>
      %swap3A_341 = arith.index_cast %scan3A_158 : i32 to index
      %swap3A_342 = arith.constant 96 : index
      %swap3A_343 = tpu.vector_load %arg10[%swap3A_341, %swap3A_342] {strides = array<i32>} : memref<128x128xf32, #tpu.memory_space<vmem>>, vector<1x16xf32>,
      %swap3A_344 = vector.shape_cast %swap3A_343 : vector<1x16xf32> to vector<16xf32>
      %swap3A_345 = vector.shape_cast %mul3A_340 : vector<16xf32> to vector<1x16xf32>
      tpu.vector_store %arg10[%swap3A_341, %swap3A_342], %swap3A_345 {strides = array<i32>} : memref<128x128xf32, #tpu.memory_space<vmem>>, vector<1x16xf32>,
      %get3A_346 = arith.index_cast %scan3A_158 : i32 to index
      %get3A_347 = arith.constant 112 : index
      %get3A_348 = tpu.vector_load %arg6[%get3A_346, %get3A_347] {strides = array<i32>} : memref<128x128xf32, #tpu.memory_space<vmem>>, vector<1x16xf32>,
      %get3A_349 = vector.shape_cast %get3A_348 : vector<1x16xf32> to vector<16xf32>
      %get3A_350 = arith.index_cast %scan3A_158 : i32 to index
      %get3A_351 = arith.constant 112 : index
      %get3A_352 = tpu.vector_load %arg7[%get3A_350, %get3A_351] {strides = array<i32>} : memref<128x128xf32, #tpu.memory_space<vmem>>, vector<1x16xf32>,
      %get3A_353 = vector.shape_cast %get3A_352 : vector<1x16xf32> to vector<16xf32>
      %add3A_354 = arith.addf %get3A_349, %get3A_353 : vector<16xf32>
      %get3A_355 = arith.index_cast %scan3A_158 : i32 to index
      %get3A_356 = arith.constant 112 : index
      %get3A_357 = tpu.vector_load %arg8[%get3A_355, %get3A_356] {strides = array<i32>} : memref<128x128xf32, #tpu.memory_space<vmem>>, vector<1x16xf32>,
      %get3A_358 = vector.shape_cast %get3A_357 : vector<1x16xf32> to vector<16xf32>
      %add3A_359 = arith.addf %add3A_354, %get3A_358 : vector<16xf32>
      %get3A_360 = arith.index_cast %scan3A_158 : i32 to index
      %get3A_361 = arith.constant 112 : index
      %get3A_362 = tpu.vector_load %arg9[%get3A_360, %get3A_361] {strides = array<i32>} : memref<128x128xf32, #tpu.memory_space<vmem>>, vector<1x16xf32>,
      %get3A_363 = vector.shape_cast %get3A_362 : vector<1x16xf32> to vector<16xf32>
      %add3A_364 = arith.addf %add3A_359, %get3A_363 : vector<16xf32>
      %mul3A_365 = arith.constant 2.500000e-01 : f32
      %mul3A_366 = vector.broadcast %mul3A_365 : f32 to vector<16xf32>
      %mul3A_367 = arith.mulf %add3A_364, %mul3A_366 : vector<16xf32>
      %swap3A_368 = arith.index_cast %scan3A_158 : i32 to index
      %swap3A_369 = arith.constant 112 : index
      %swap3A_370 = tpu.vector_load %arg10[%swap3A_368, %swap3A_369] {strides = array<i32>} : memref<128x128xf32, #tpu.memory_space<vmem>>, vector<1x16xf32>,
      %swap3A_371 = vector.shape_cast %swap3A_370 : vector<1x16xf32> to vector<16xf32>
      %swap3A_372 = vector.shape_cast %mul3A_367 : vector<16xf32> to vector<1x16xf32>
      tpu.vector_store %arg10[%swap3A_368, %swap3A_369], %swap3A_372 {strides = array<i32>} : memref<128x128xf32, #tpu.memory_space<vmem>>, vector<1x16xf32>,
    }
    %scan3A_157 = arith.constant 128 : i32
    "tpu.region"() ({
      %run_scoped3A = tpu.sem_alloc : memref<!tpu.dma_semaphore, #tpu.memory_space<semaphore_mem>>
      %dma_start3A_158 = arith.constant 0 : i32
      %dma_start3A_159 = tpu.memref_slice %arg4[%mul3A_2, %dma_start3A_158] : memref<4096x128xf32, #tpu.memory_space<hbm>> -> memref<128x128xf32, #tpu.memory_space<hbm>>
      %dma_start3A_160 = arith.constant 0 : i32
      %dma_start3A_161 = tpu.memref_slice %arg4[%mul3A_2, %dma_start3A_160] : memref<4096x128xf32, #tpu.memory_space<hbm>> -> memref<128x128xf32, #tpu.memory_space<hbm>>
      tpu.enqueue_dma source(%arg10 : memref<128x128xf32, #tpu.memory_space<vmem>>) target(%dma_start3A_161 : memref<128x128xf32, #tpu.memory_space<hbm>>) target_semaphore(%run_scoped3A : memref<!tpu.dma_semaphore, #tpu.memory_space<semaphore_mem>>)
      %dma_wait3A_162 = arith.constant 0 : i32
      %dma_wait3A_163 = tpu.memref_slice %arg4[%mul3A_2, %dma_wait3A_162] : memref<4096x128xf32, #tpu.memory_space<hbm>> -> memref<128x128xf32, #tpu.memory_space<hbm>>
      %dma_wait3A_164 = arith.constant 0 : i32
      %dma_wait3A_165 = tpu.memref_slice %arg4[%mul3A_2, %dma_wait3A_164] : memref<4096x128xf32, #tpu.memory_space<hbm>> -> memref<128x128xf32, #tpu.memory_space<hbm>>
      tpu.wait_dma2 semaphore(%run_scoped3A : memref<!tpu.dma_semaphore, #tpu.memory_space<semaphore_mem>>) src(%arg10 : memref<128x128xf32, #tpu.memory_space<vmem>>) dst(%dma_wait3A_165 : memref<128x128xf32, #tpu.memory_space<hbm>>)
      tpu.yield
    }) : () -> ()
    return
  }
}

#map = affine_map<(d0, d1) -> (0, 0)>
module attributes {stable_mosaic.version = 14 : i64} {
  func.func @_sc_gather_mean(%arg0: i32, %arg1: i32, %arg2: memref<2048x128xf32, #tpu.memory_space<hbm>>, %arg3: memref<8x4096xi32, #tpu.memory_space<hbm>>, %arg4: memref<4096x128xf32, #tpu.memory_space<hbm>>, %arg5: memref<4x128xi32, #tpu.memory_space<vmem>>, %arg6: memref<128x128xf32, #tpu.memory_space<vmem>>, %arg7: memref<128x128xf32, #tpu.memory_space<vmem>>, %arg8: memref<128x128xf32, #tpu.memory_space<vmem>>, %arg9: memref<128x128xf32, #tpu.memory_space<vmem>>, %arg10: memref<128x128xf32, #tpu.memory_space<vmem>>, %arg11: memref<!tpu.dma_semaphore, #tpu.memory_space<semaphore_mem>>, %arg12: memref<!tpu.dma_semaphore, #tpu.memory_space<semaphore_mem>>) attributes {dimension_semantics = [#tpu.dimension_semantics<core_parallel>, #tpu.dimension_semantics<subcore_parallel>], iteration_bounds = array<i64: 2, 16>, scalar_prefetch = 0 : i64, scratch_operands = 8 : i64, tpu.core_type = #tpu.core_type<sc_vector_subcore>, window_params = [{transform_indices = #map}, {transform_indices = #map}, {transform_indices = #map}]} {
    %mul3A = arith.constant 2 : i32
    %mul3A_0 = arith.muli %arg1, %mul3A : i32
    %add3A = arith.addi %mul3A_0, %arg0 : i32
    %mul3A_1 = arith.constant 128 : i32
    %mul3A_2 = arith.muli %add3A, %mul3A_1 : i32
    %dma_start3A = arith.constant 0 : i32
    %dma_start3A_3 = arith.constant 0 : i32
    %dma_start3A_4 = arith.constant 0 : i32
    %dma_start3A_5 = tpu.memref_slice %arg5[%dma_start3A_3, %dma_start3A_4] : memref<4x128xi32, #tpu.memory_space<vmem>> -> memref<1x128xi32, #tpu.memory_space<vmem>>
    %dma_start3A_6 = tpu.memref_squeeze %dma_start3A_5 : memref<1x128xi32, #tpu.memory_space<vmem>> -> memref<128xi32, #tpu.memory_space<vmem>>
    %dma_start3A_7 = tpu.memref_slice %arg3[%dma_start3A, %mul3A_2] : memref<8x4096xi32, #tpu.memory_space<hbm>> -> memref<1x128xi32, #tpu.memory_space<hbm>>
    %dma_start3A_8 = tpu.memref_squeeze %dma_start3A_7 : memref<1x128xi32, #tpu.memory_space<hbm>> -> memref<128xi32, #tpu.memory_space<hbm>>
    %dma_start3A_9 = arith.constant 0 : i32
    %dma_start3A_10 = tpu.memref_slice %arg5[%dma_start3A_3, %dma_start3A_9] : memref<4x128xi32, #tpu.memory_space<vmem>> -> memref<1x128xi32, #tpu.memory_space<vmem>>
    %dma_start3A_11 = tpu.memref_squeeze %dma_start3A_10 : memref<1x128xi32, #tpu.memory_space<vmem>> -> memref<128xi32, #tpu.memory_space<vmem>>
    %dma_start3A_12 = tpu.memref_slice %arg3[%dma_start3A, %mul3A_2] : memref<8x4096xi32, #tpu.memory_space<hbm>> -> memref<1x128xi32, #tpu.memory_space<hbm>>
    %dma_start3A_13 = tpu.memref_squeeze %dma_start3A_12 : memref<1x128xi32, #tpu.memory_space<hbm>> -> memref<128xi32, #tpu.memory_space<hbm>>
    tpu.enqueue_dma source(%dma_start3A_13 : memref<128xi32, #tpu.memory_space<hbm>>) target(%dma_start3A_11 : memref<128xi32, #tpu.memory_space<vmem>>) target_semaphore(%arg11 : memref<!tpu.dma_semaphore, #tpu.memory_space<semaphore_mem>>)
    %dma_start3A_14 = arith.constant 1 : i32
    %dma_start3A_15 = arith.constant 1 : i32
    %dma_start3A_16 = arith.constant 0 : i32
    %dma_start3A_17 = tpu.memref_slice %arg5[%dma_start3A_15, %dma_start3A_16] : memref<4x128xi32, #tpu.memory_space<vmem>> -> memref<1x128xi32, #tpu.memory_space<vmem>>
    %dma_start3A_18 = tpu.memref_squeeze %dma_start3A_17 : memref<1x128xi32, #tpu.memory_space<vmem>> -> memref<128xi32, #tpu.memory_space<vmem>>
    %dma_start3A_19 = tpu.memref_slice %arg3[%dma_start3A_14, %mul3A_2] : memref<8x4096xi32, #tpu.memory_space<hbm>> -> memref<1x128xi32, #tpu.memory_space<hbm>>
    %dma_start3A_20 = tpu.memref_squeeze %dma_start3A_19 : memref<1x128xi32, #tpu.memory_space<hbm>> -> memref<128xi32, #tpu.memory_space<hbm>>
    %dma_start3A_21 = arith.constant 0 : i32
    %dma_start3A_22 = tpu.memref_slice %arg5[%dma_start3A_15, %dma_start3A_21] : memref<4x128xi32, #tpu.memory_space<vmem>> -> memref<1x128xi32, #tpu.memory_space<vmem>>
    %dma_start3A_23 = tpu.memref_squeeze %dma_start3A_22 : memref<1x128xi32, #tpu.memory_space<vmem>> -> memref<128xi32, #tpu.memory_space<vmem>>
    %dma_start3A_24 = tpu.memref_slice %arg3[%dma_start3A_14, %mul3A_2] : memref<8x4096xi32, #tpu.memory_space<hbm>> -> memref<1x128xi32, #tpu.memory_space<hbm>>
    %dma_start3A_25 = tpu.memref_squeeze %dma_start3A_24 : memref<1x128xi32, #tpu.memory_space<hbm>> -> memref<128xi32, #tpu.memory_space<hbm>>
    tpu.enqueue_dma source(%dma_start3A_25 : memref<128xi32, #tpu.memory_space<hbm>>) target(%dma_start3A_23 : memref<128xi32, #tpu.memory_space<vmem>>) target_semaphore(%arg11 : memref<!tpu.dma_semaphore, #tpu.memory_space<semaphore_mem>>)
    %dma_start3A_26 = arith.constant 2 : i32
    %dma_start3A_27 = arith.constant 2 : i32
    %dma_start3A_28 = arith.constant 0 : i32
    %dma_start3A_29 = tpu.memref_slice %arg5[%dma_start3A_27, %dma_start3A_28] : memref<4x128xi32, #tpu.memory_space<vmem>> -> memref<1x128xi32, #tpu.memory_space<vmem>>
    %dma_start3A_30 = tpu.memref_squeeze %dma_start3A_29 : memref<1x128xi32, #tpu.memory_space<vmem>> -> memref<128xi32, #tpu.memory_space<vmem>>
    %dma_start3A_31 = tpu.memref_slice %arg3[%dma_start3A_26, %mul3A_2] : memref<8x4096xi32, #tpu.memory_space<hbm>> -> memref<1x128xi32, #tpu.memory_space<hbm>>
    %dma_start3A_32 = tpu.memref_squeeze %dma_start3A_31 : memref<1x128xi32, #tpu.memory_space<hbm>> -> memref<128xi32, #tpu.memory_space<hbm>>
    %dma_start3A_33 = arith.constant 0 : i32
    %dma_start3A_34 = tpu.memref_slice %arg5[%dma_start3A_27, %dma_start3A_33] : memref<4x128xi32, #tpu.memory_space<vmem>> -> memref<1x128xi32, #tpu.memory_space<vmem>>
    %dma_start3A_35 = tpu.memref_squeeze %dma_start3A_34 : memref<1x128xi32, #tpu.memory_space<vmem>> -> memref<128xi32, #tpu.memory_space<vmem>>
    %dma_start3A_36 = tpu.memref_slice %arg3[%dma_start3A_26, %mul3A_2] : memref<8x4096xi32, #tpu.memory_space<hbm>> -> memref<1x128xi32, #tpu.memory_space<hbm>>
    %dma_start3A_37 = tpu.memref_squeeze %dma_start3A_36 : memref<1x128xi32, #tpu.memory_space<hbm>> -> memref<128xi32, #tpu.memory_space<hbm>>
    tpu.enqueue_dma source(%dma_start3A_37 : memref<128xi32, #tpu.memory_space<hbm>>) target(%dma_start3A_35 : memref<128xi32, #tpu.memory_space<vmem>>) target_semaphore(%arg11 : memref<!tpu.dma_semaphore, #tpu.memory_space<semaphore_mem>>)
    %dma_start3A_38 = arith.constant 3 : i32
    %dma_start3A_39 = arith.constant 3 : i32
    %dma_start3A_40 = arith.constant 0 : i32
    %dma_start3A_41 = tpu.memref_slice %arg5[%dma_start3A_39, %dma_start3A_40] : memref<4x128xi32, #tpu.memory_space<vmem>> -> memref<1x128xi32, #tpu.memory_space<vmem>>
    %dma_start3A_42 = tpu.memref_squeeze %dma_start3A_41 : memref<1x128xi32, #tpu.memory_space<vmem>> -> memref<128xi32, #tpu.memory_space<vmem>>
    %dma_start3A_43 = tpu.memref_slice %arg3[%dma_start3A_38, %mul3A_2] : memref<8x4096xi32, #tpu.memory_space<hbm>> -> memref<1x128xi32, #tpu.memory_space<hbm>>
    %dma_start3A_44 = tpu.memref_squeeze %dma_start3A_43 : memref<1x128xi32, #tpu.memory_space<hbm>> -> memref<128xi32, #tpu.memory_space<hbm>>
    %dma_start3A_45 = arith.constant 0 : i32
    %dma_start3A_46 = tpu.memref_slice %arg5[%dma_start3A_39, %dma_start3A_45] : memref<4x128xi32, #tpu.memory_space<vmem>> -> memref<1x128xi32, #tpu.memory_space<vmem>>
    %dma_start3A_47 = tpu.memref_squeeze %dma_start3A_46 : memref<1x128xi32, #tpu.memory_space<vmem>> -> memref<128xi32, #tpu.memory_space<vmem>>
    %dma_start3A_48 = tpu.memref_slice %arg3[%dma_start3A_38, %mul3A_2] : memref<8x4096xi32, #tpu.memory_space<hbm>> -> memref<1x128xi32, #tpu.memory_space<hbm>>
    %dma_start3A_49 = tpu.memref_squeeze %dma_start3A_48 : memref<1x128xi32, #tpu.memory_space<hbm>> -> memref<128xi32, #tpu.memory_space<hbm>>
    tpu.enqueue_dma source(%dma_start3A_49 : memref<128xi32, #tpu.memory_space<hbm>>) target(%dma_start3A_47 : memref<128xi32, #tpu.memory_space<vmem>>) target_semaphore(%arg11 : memref<!tpu.dma_semaphore, #tpu.memory_space<semaphore_mem>>)
    %dma_wait3A = arith.constant 0 : i32
    %dma_wait3A_50 = arith.constant 0 : i32
    %dma_wait3A_51 = arith.constant 0 : i32
    %dma_wait3A_52 = tpu.memref_slice %arg5[%dma_wait3A_50, %dma_wait3A_51] : memref<4x128xi32, #tpu.memory_space<vmem>> -> memref<1x128xi32, #tpu.memory_space<vmem>>
    %dma_wait3A_53 = tpu.memref_squeeze %dma_wait3A_52 : memref<1x128xi32, #tpu.memory_space<vmem>> -> memref<128xi32, #tpu.memory_space<vmem>>
    %dma_wait3A_54 = tpu.memref_slice %arg3[%dma_wait3A, %mul3A_2] : memref<8x4096xi32, #tpu.memory_space<hbm>> -> memref<1x128xi32, #tpu.memory_space<hbm>>
    %dma_wait3A_55 = tpu.memref_squeeze %dma_wait3A_54 : memref<1x128xi32, #tpu.memory_space<hbm>> -> memref<128xi32, #tpu.memory_space<hbm>>
    %dma_wait3A_56 = arith.constant 0 : i32
    %dma_wait3A_57 = tpu.memref_slice %arg5[%dma_wait3A_50, %dma_wait3A_56] : memref<4x128xi32, #tpu.memory_space<vmem>> -> memref<1x128xi32, #tpu.memory_space<vmem>>
    %dma_wait3A_58 = tpu.memref_squeeze %dma_wait3A_57 : memref<1x128xi32, #tpu.memory_space<vmem>> -> memref<128xi32, #tpu.memory_space<vmem>>
    %dma_wait3A_59 = tpu.memref_slice %arg3[%dma_wait3A, %mul3A_2] : memref<8x4096xi32, #tpu.memory_space<hbm>> -> memref<1x128xi32, #tpu.memory_space<hbm>>
    %dma_wait3A_60 = tpu.memref_squeeze %dma_wait3A_59 : memref<1x128xi32, #tpu.memory_space<hbm>> -> memref<128xi32, #tpu.memory_space<hbm>>
    tpu.wait_dma2 semaphore(%arg11 : memref<!tpu.dma_semaphore, #tpu.memory_space<semaphore_mem>>) src(%dma_wait3A_60 : memref<128xi32, #tpu.memory_space<hbm>>) dst(%dma_wait3A_58 : memref<128xi32, #tpu.memory_space<vmem>>)
    %dma_start3A_61 = arith.constant 0 : i32
    %dma_start3A_62 = arith.constant 0 : i32
    %dma_start3A_63 = tpu.memref_slice %arg5[%dma_start3A_61, %dma_start3A_62] : memref<4x128xi32, #tpu.memory_space<vmem>> -> memref<1x128xi32, #tpu.memory_space<vmem>>
    %dma_start3A_64 = tpu.memref_squeeze %dma_start3A_63 : memref<1x128xi32, #tpu.memory_space<vmem>> -> memref<128xi32, #tpu.memory_space<vmem>>
    %dma_start3A_65 = arith.constant 0 : i32
    %dma_start3A_66 = arith.constant 0 : i32
    %dma_start3A_67 = tpu.memref_slice %arg2[%dma_start3A_65, %dma_start3A_66] : memref<2048x128xf32, #tpu.memory_space<hbm>> -> memref<2048x128xf32, #tpu.memory_space<hbm>>
    tpu.enqueue_indirect_dma source(%dma_start3A_67 : memref<2048x128xf32, #tpu.memory_space<hbm>>) target(%arg6 : memref<128x128xf32, #tpu.memory_space<vmem>>) offsets(%dma_start3A_64 : memref<128xi32, #tpu.memory_space<vmem>>) semaphore(%arg12 : memref<!tpu.dma_semaphore, #tpu.memory_space<semaphore_mem>>)
    %dma_wait3A_68 = arith.constant 1 : i32
    %dma_wait3A_69 = arith.constant 1 : i32
    %dma_wait3A_70 = arith.constant 0 : i32
    %dma_wait3A_71 = tpu.memref_slice %arg5[%dma_wait3A_69, %dma_wait3A_70] : memref<4x128xi32, #tpu.memory_space<vmem>> -> memref<1x128xi32, #tpu.memory_space<vmem>>
    %dma_wait3A_72 = tpu.memref_squeeze %dma_wait3A_71 : memref<1x128xi32, #tpu.memory_space<vmem>> -> memref<128xi32, #tpu.memory_space<vmem>>
    %dma_wait3A_73 = tpu.memref_slice %arg3[%dma_wait3A_68, %mul3A_2] : memref<8x4096xi32, #tpu.memory_space<hbm>> -> memref<1x128xi32, #tpu.memory_space<hbm>>
    %dma_wait3A_74 = tpu.memref_squeeze %dma_wait3A_73 : memref<1x128xi32, #tpu.memory_space<hbm>> -> memref<128xi32, #tpu.memory_space<hbm>>
    %dma_wait3A_75 = arith.constant 0 : i32
    %dma_wait3A_76 = tpu.memref_slice %arg5[%dma_wait3A_69, %dma_wait3A_75] : memref<4x128xi32, #tpu.memory_space<vmem>> -> memref<1x128xi32, #tpu.memory_space<vmem>>
    %dma_wait3A_77 = tpu.memref_squeeze %dma_wait3A_76 : memref<1x128xi32, #tpu.memory_space<vmem>> -> memref<128xi32, #tpu.memory_space<vmem>>
    %dma_wait3A_78 = tpu.memref_slice %arg3[%dma_wait3A_68, %mul3A_2] : memref<8x4096xi32, #tpu.memory_space<hbm>> -> memref<1x128xi32, #tpu.memory_space<hbm>>
    %dma_wait3A_79 = tpu.memref_squeeze %dma_wait3A_78 : memref<1x128xi32, #tpu.memory_space<hbm>> -> memref<128xi32, #tpu.memory_space<hbm>>
    tpu.wait_dma2 semaphore(%arg11 : memref<!tpu.dma_semaphore, #tpu.memory_space<semaphore_mem>>) src(%dma_wait3A_79 : memref<128xi32, #tpu.memory_space<hbm>>) dst(%dma_wait3A_77 : memref<128xi32, #tpu.memory_space<vmem>>)
    %dma_start3A_80 = arith.constant 1 : i32
    %dma_start3A_81 = arith.constant 0 : i32
    %dma_start3A_82 = tpu.memref_slice %arg5[%dma_start3A_80, %dma_start3A_81] : memref<4x128xi32, #tpu.memory_space<vmem>> -> memref<1x128xi32, #tpu.memory_space<vmem>>
    %dma_start3A_83 = tpu.memref_squeeze %dma_start3A_82 : memref<1x128xi32, #tpu.memory_space<vmem>> -> memref<128xi32, #tpu.memory_space<vmem>>
    %dma_start3A_84 = arith.constant 0 : i32
    %dma_start3A_85 = arith.constant 0 : i32
    %dma_start3A_86 = tpu.memref_slice %arg2[%dma_start3A_84, %dma_start3A_85] : memref<2048x128xf32, #tpu.memory_space<hbm>> -> memref<2048x128xf32, #tpu.memory_space<hbm>>
    tpu.enqueue_indirect_dma source(%dma_start3A_86 : memref<2048x128xf32, #tpu.memory_space<hbm>>) target(%arg7 : memref<128x128xf32, #tpu.memory_space<vmem>>) offsets(%dma_start3A_83 : memref<128xi32, #tpu.memory_space<vmem>>) semaphore(%arg12 : memref<!tpu.dma_semaphore, #tpu.memory_space<semaphore_mem>>)
    %dma_wait3A_87 = arith.constant 2 : i32
    %dma_wait3A_88 = arith.constant 2 : i32
    %dma_wait3A_89 = arith.constant 0 : i32
    %dma_wait3A_90 = tpu.memref_slice %arg5[%dma_wait3A_88, %dma_wait3A_89] : memref<4x128xi32, #tpu.memory_space<vmem>> -> memref<1x128xi32, #tpu.memory_space<vmem>>
    %dma_wait3A_91 = tpu.memref_squeeze %dma_wait3A_90 : memref<1x128xi32, #tpu.memory_space<vmem>> -> memref<128xi32, #tpu.memory_space<vmem>>
    %dma_wait3A_92 = tpu.memref_slice %arg3[%dma_wait3A_87, %mul3A_2] : memref<8x4096xi32, #tpu.memory_space<hbm>> -> memref<1x128xi32, #tpu.memory_space<hbm>>
    %dma_wait3A_93 = tpu.memref_squeeze %dma_wait3A_92 : memref<1x128xi32, #tpu.memory_space<hbm>> -> memref<128xi32, #tpu.memory_space<hbm>>
    %dma_wait3A_94 = arith.constant 0 : i32
    %dma_wait3A_95 = tpu.memref_slice %arg5[%dma_wait3A_88, %dma_wait3A_94] : memref<4x128xi32, #tpu.memory_space<vmem>> -> memref<1x128xi32, #tpu.memory_space<vmem>>
    %dma_wait3A_96 = tpu.memref_squeeze %dma_wait3A_95 : memref<1x128xi32, #tpu.memory_space<vmem>> -> memref<128xi32, #tpu.memory_space<vmem>>
    %dma_wait3A_97 = tpu.memref_slice %arg3[%dma_wait3A_87, %mul3A_2] : memref<8x4096xi32, #tpu.memory_space<hbm>> -> memref<1x128xi32, #tpu.memory_space<hbm>>
    %dma_wait3A_98 = tpu.memref_squeeze %dma_wait3A_97 : memref<1x128xi32, #tpu.memory_space<hbm>> -> memref<128xi32, #tpu.memory_space<hbm>>
    tpu.wait_dma2 semaphore(%arg11 : memref<!tpu.dma_semaphore, #tpu.memory_space<semaphore_mem>>) src(%dma_wait3A_98 : memref<128xi32, #tpu.memory_space<hbm>>) dst(%dma_wait3A_96 : memref<128xi32, #tpu.memory_space<vmem>>)
    %dma_start3A_99 = arith.constant 2 : i32
    %dma_start3A_100 = arith.constant 0 : i32
    %dma_start3A_101 = tpu.memref_slice %arg5[%dma_start3A_99, %dma_start3A_100] : memref<4x128xi32, #tpu.memory_space<vmem>> -> memref<1x128xi32, #tpu.memory_space<vmem>>
    %dma_start3A_102 = tpu.memref_squeeze %dma_start3A_101 : memref<1x128xi32, #tpu.memory_space<vmem>> -> memref<128xi32, #tpu.memory_space<vmem>>
    %dma_start3A_103 = arith.constant 0 : i32
    %dma_start3A_104 = arith.constant 0 : i32
    %dma_start3A_105 = tpu.memref_slice %arg2[%dma_start3A_103, %dma_start3A_104] : memref<2048x128xf32, #tpu.memory_space<hbm>> -> memref<2048x128xf32, #tpu.memory_space<hbm>>
    tpu.enqueue_indirect_dma source(%dma_start3A_105 : memref<2048x128xf32, #tpu.memory_space<hbm>>) target(%arg8 : memref<128x128xf32, #tpu.memory_space<vmem>>) offsets(%dma_start3A_102 : memref<128xi32, #tpu.memory_space<vmem>>) semaphore(%arg12 : memref<!tpu.dma_semaphore, #tpu.memory_space<semaphore_mem>>)
    %dma_wait3A_106 = arith.constant 3 : i32
    %dma_wait3A_107 = arith.constant 3 : i32
    %dma_wait3A_108 = arith.constant 0 : i32
    %dma_wait3A_109 = tpu.memref_slice %arg5[%dma_wait3A_107, %dma_wait3A_108] : memref<4x128xi32, #tpu.memory_space<vmem>> -> memref<1x128xi32, #tpu.memory_space<vmem>>
    %dma_wait3A_110 = tpu.memref_squeeze %dma_wait3A_109 : memref<1x128xi32, #tpu.memory_space<vmem>> -> memref<128xi32, #tpu.memory_space<vmem>>
    %dma_wait3A_111 = tpu.memref_slice %arg3[%dma_wait3A_106, %mul3A_2] : memref<8x4096xi32, #tpu.memory_space<hbm>> -> memref<1x128xi32, #tpu.memory_space<hbm>>
    %dma_wait3A_112 = tpu.memref_squeeze %dma_wait3A_111 : memref<1x128xi32, #tpu.memory_space<hbm>> -> memref<128xi32, #tpu.memory_space<hbm>>
    %dma_wait3A_113 = arith.constant 0 : i32
    %dma_wait3A_114 = tpu.memref_slice %arg5[%dma_wait3A_107, %dma_wait3A_113] : memref<4x128xi32, #tpu.memory_space<vmem>> -> memref<1x128xi32, #tpu.memory_space<vmem>>
    %dma_wait3A_115 = tpu.memref_squeeze %dma_wait3A_114 : memref<1x128xi32, #tpu.memory_space<vmem>> -> memref<128xi32, #tpu.memory_space<vmem>>
    %dma_wait3A_116 = tpu.memref_slice %arg3[%dma_wait3A_106, %mul3A_2] : memref<8x4096xi32, #tpu.memory_space<hbm>> -> memref<1x128xi32, #tpu.memory_space<hbm>>
    %dma_wait3A_117 = tpu.memref_squeeze %dma_wait3A_116 : memref<1x128xi32, #tpu.memory_space<hbm>> -> memref<128xi32, #tpu.memory_space<hbm>>
    tpu.wait_dma2 semaphore(%arg11 : memref<!tpu.dma_semaphore, #tpu.memory_space<semaphore_mem>>) src(%dma_wait3A_117 : memref<128xi32, #tpu.memory_space<hbm>>) dst(%dma_wait3A_115 : memref<128xi32, #tpu.memory_space<vmem>>)
    %dma_start3A_118 = arith.constant 3 : i32
    %dma_start3A_119 = arith.constant 0 : i32
    %dma_start3A_120 = tpu.memref_slice %arg5[%dma_start3A_118, %dma_start3A_119] : memref<4x128xi32, #tpu.memory_space<vmem>> -> memref<1x128xi32, #tpu.memory_space<vmem>>
    %dma_start3A_121 = tpu.memref_squeeze %dma_start3A_120 : memref<1x128xi32, #tpu.memory_space<vmem>> -> memref<128xi32, #tpu.memory_space<vmem>>
    %dma_start3A_122 = arith.constant 0 : i32
    %dma_start3A_123 = arith.constant 0 : i32
    %dma_start3A_124 = tpu.memref_slice %arg2[%dma_start3A_122, %dma_start3A_123] : memref<2048x128xf32, #tpu.memory_space<hbm>> -> memref<2048x128xf32, #tpu.memory_space<hbm>>
    tpu.enqueue_indirect_dma source(%dma_start3A_124 : memref<2048x128xf32, #tpu.memory_space<hbm>>) target(%arg9 : memref<128x128xf32, #tpu.memory_space<vmem>>) offsets(%dma_start3A_121 : memref<128xi32, #tpu.memory_space<vmem>>) semaphore(%arg12 : memref<!tpu.dma_semaphore, #tpu.memory_space<semaphore_mem>>)
    %dma_wait3A_125 = arith.constant 0 : i32
    %dma_wait3A_126 = arith.constant 0 : i32
    %dma_wait3A_127 = tpu.memref_slice %arg5[%dma_wait3A_125, %dma_wait3A_126] : memref<4x128xi32, #tpu.memory_space<vmem>> -> memref<1x128xi32, #tpu.memory_space<vmem>>
    %dma_wait3A_128 = tpu.memref_squeeze %dma_wait3A_127 : memref<1x128xi32, #tpu.memory_space<vmem>> -> memref<128xi32, #tpu.memory_space<vmem>>
    %dma_wait3A_129 = arith.constant 0 : i32
    %dma_wait3A_130 = arith.constant 0 : i32
    %dma_wait3A_131 = tpu.memref_slice %arg2[%dma_wait3A_129, %dma_wait3A_130] : memref<2048x128xf32, #tpu.memory_space<hbm>> -> memref<2048x128xf32, #tpu.memory_space<hbm>>
    tpu.wait_indirect_dma semaphore(%arg12 : memref<!tpu.dma_semaphore, #tpu.memory_space<semaphore_mem>>) src(%dma_wait3A_131 : memref<2048x128xf32, #tpu.memory_space<hbm>>) dst(%arg6 : memref<128x128xf32, #tpu.memory_space<vmem>>)
    %dma_wait3A_132 = arith.constant 1 : i32
    %dma_wait3A_133 = arith.constant 0 : i32
    %dma_wait3A_134 = tpu.memref_slice %arg5[%dma_wait3A_132, %dma_wait3A_133] : memref<4x128xi32, #tpu.memory_space<vmem>> -> memref<1x128xi32, #tpu.memory_space<vmem>>
    %dma_wait3A_135 = tpu.memref_squeeze %dma_wait3A_134 : memref<1x128xi32, #tpu.memory_space<vmem>> -> memref<128xi32, #tpu.memory_space<vmem>>
    %dma_wait3A_136 = arith.constant 0 : i32
    %dma_wait3A_137 = arith.constant 0 : i32
    %dma_wait3A_138 = tpu.memref_slice %arg2[%dma_wait3A_136, %dma_wait3A_137] : memref<2048x128xf32, #tpu.memory_space<hbm>> -> memref<2048x128xf32, #tpu.memory_space<hbm>>
    tpu.wait_indirect_dma semaphore(%arg12 : memref<!tpu.dma_semaphore, #tpu.memory_space<semaphore_mem>>) src(%dma_wait3A_138 : memref<2048x128xf32, #tpu.memory_space<hbm>>) dst(%arg7 : memref<128x128xf32, #tpu.memory_space<vmem>>)
    %dma_wait3A_139 = arith.constant 2 : i32
    %dma_wait3A_140 = arith.constant 0 : i32
    %dma_wait3A_141 = tpu.memref_slice %arg5[%dma_wait3A_139, %dma_wait3A_140] : memref<4x128xi32, #tpu.memory_space<vmem>> -> memref<1x128xi32, #tpu.memory_space<vmem>>
    %dma_wait3A_142 = tpu.memref_squeeze %dma_wait3A_141 : memref<1x128xi32, #tpu.memory_space<vmem>> -> memref<128xi32, #tpu.memory_space<vmem>>
    %dma_wait3A_143 = arith.constant 0 : i32
    %dma_wait3A_144 = arith.constant 0 : i32
    %dma_wait3A_145 = tpu.memref_slice %arg2[%dma_wait3A_143, %dma_wait3A_144] : memref<2048x128xf32, #tpu.memory_space<hbm>> -> memref<2048x128xf32, #tpu.memory_space<hbm>>
    tpu.wait_indirect_dma semaphore(%arg12 : memref<!tpu.dma_semaphore, #tpu.memory_space<semaphore_mem>>) src(%dma_wait3A_145 : memref<2048x128xf32, #tpu.memory_space<hbm>>) dst(%arg8 : memref<128x128xf32, #tpu.memory_space<vmem>>)
    %dma_wait3A_146 = arith.constant 3 : i32
    %dma_wait3A_147 = arith.constant 0 : i32
    %dma_wait3A_148 = tpu.memref_slice %arg5[%dma_wait3A_146, %dma_wait3A_147] : memref<4x128xi32, #tpu.memory_space<vmem>> -> memref<1x128xi32, #tpu.memory_space<vmem>>
    %dma_wait3A_149 = tpu.memref_squeeze %dma_wait3A_148 : memref<1x128xi32, #tpu.memory_space<vmem>> -> memref<128xi32, #tpu.memory_space<vmem>>
    %dma_wait3A_150 = arith.constant 0 : i32
    %dma_wait3A_151 = arith.constant 0 : i32
    %dma_wait3A_152 = tpu.memref_slice %arg2[%dma_wait3A_150, %dma_wait3A_151] : memref<2048x128xf32, #tpu.memory_space<hbm>> -> memref<2048x128xf32, #tpu.memory_space<hbm>>
    tpu.wait_indirect_dma semaphore(%arg12 : memref<!tpu.dma_semaphore, #tpu.memory_space<semaphore_mem>>) src(%dma_wait3A_152 : memref<2048x128xf32, #tpu.memory_space<hbm>>) dst(%arg9 : memref<128x128xf32, #tpu.memory_space<vmem>>)
    %scan3A = arith.constant 0 : i32
    %scan3A_153 = arith.constant 0 : i32
    %scan3A_154 = arith.constant 128 : i32
    %scan3A_155 = arith.addi %scan3A_153, %scan3A_154 : i32
    %scan3A_156 = arith.constant 1 : i32
    scf.for %scan3A_158 = %scan3A_153 to %scan3A_155 step %scan3A_156  : i32 {
      %get3A = arith.index_cast %scan3A_158 : i32 to index
      %get3A_159 = arith.constant 0 : index
      %get3A_160 = tpu.vector_load %arg6[%get3A, %get3A_159] {strides = array<i32>} : memref<128x128xf32, #tpu.memory_space<vmem>>, vector<1x16xf32>,
      %get3A_161 = vector.shape_cast %get3A_160 : vector<1x16xf32> to vector<16xf32>
      %get3A_162 = arith.index_cast %scan3A_158 : i32 to index
      %get3A_163 = arith.constant 0 : index
      %get3A_164 = tpu.vector_load %arg7[%get3A_162, %get3A_163] {strides = array<i32>} : memref<128x128xf32, #tpu.memory_space<vmem>>, vector<1x16xf32>,
      %get3A_165 = vector.shape_cast %get3A_164 : vector<1x16xf32> to vector<16xf32>
      %add3A_166 = arith.addf %get3A_161, %get3A_165 : vector<16xf32>
      %get3A_167 = arith.index_cast %scan3A_158 : i32 to index
      %get3A_168 = arith.constant 0 : index
      %get3A_169 = tpu.vector_load %arg8[%get3A_167, %get3A_168] {strides = array<i32>} : memref<128x128xf32, #tpu.memory_space<vmem>>, vector<1x16xf32>,
      %get3A_170 = vector.shape_cast %get3A_169 : vector<1x16xf32> to vector<16xf32>
      %add3A_171 = arith.addf %add3A_166, %get3A_170 : vector<16xf32>
      %get3A_172 = arith.index_cast %scan3A_158 : i32 to index
      %get3A_173 = arith.constant 0 : index
      %get3A_174 = tpu.vector_load %arg9[%get3A_172, %get3A_173] {strides = array<i32>} : memref<128x128xf32, #tpu.memory_space<vmem>>, vector<1x16xf32>,
      %get3A_175 = vector.shape_cast %get3A_174 : vector<1x16xf32> to vector<16xf32>
      %add3A_176 = arith.addf %add3A_171, %get3A_175 : vector<16xf32>
      %mul3A_177 = arith.constant 2.500000e-01 : f32
      %mul3A_178 = vector.broadcast %mul3A_177 : f32 to vector<16xf32>
      %mul3A_179 = arith.mulf %add3A_176, %mul3A_178 : vector<16xf32>
      %swap3A = arith.index_cast %scan3A_158 : i32 to index
      %swap3A_180 = arith.constant 0 : index
      %swap3A_181 = tpu.vector_load %arg10[%swap3A, %swap3A_180] {strides = array<i32>} : memref<128x128xf32, #tpu.memory_space<vmem>>, vector<1x16xf32>,
      %swap3A_182 = vector.shape_cast %swap3A_181 : vector<1x16xf32> to vector<16xf32>
      %swap3A_183 = vector.shape_cast %mul3A_179 : vector<16xf32> to vector<1x16xf32>
      tpu.vector_store %arg10[%swap3A, %swap3A_180], %swap3A_183 {strides = array<i32>} : memref<128x128xf32, #tpu.memory_space<vmem>>, vector<1x16xf32>,
      %get3A_184 = arith.index_cast %scan3A_158 : i32 to index
      %get3A_185 = arith.constant 16 : index
      %get3A_186 = tpu.vector_load %arg6[%get3A_184, %get3A_185] {strides = array<i32>} : memref<128x128xf32, #tpu.memory_space<vmem>>, vector<1x16xf32>,
      %get3A_187 = vector.shape_cast %get3A_186 : vector<1x16xf32> to vector<16xf32>
      %get3A_188 = arith.index_cast %scan3A_158 : i32 to index
      %get3A_189 = arith.constant 16 : index
      %get3A_190 = tpu.vector_load %arg7[%get3A_188, %get3A_189] {strides = array<i32>} : memref<128x128xf32, #tpu.memory_space<vmem>>, vector<1x16xf32>,
      %get3A_191 = vector.shape_cast %get3A_190 : vector<1x16xf32> to vector<16xf32>
      %add3A_192 = arith.addf %get3A_187, %get3A_191 : vector<16xf32>
      %get3A_193 = arith.index_cast %scan3A_158 : i32 to index
      %get3A_194 = arith.constant 16 : index
      %get3A_195 = tpu.vector_load %arg8[%get3A_193, %get3A_194] {strides = array<i32>} : memref<128x128xf32, #tpu.memory_space<vmem>>, vector<1x16xf32>,
      %get3A_196 = vector.shape_cast %get3A_195 : vector<1x16xf32> to vector<16xf32>
      %add3A_197 = arith.addf %add3A_192, %get3A_196 : vector<16xf32>
      %get3A_198 = arith.index_cast %scan3A_158 : i32 to index
      %get3A_199 = arith.constant 16 : index
      %get3A_200 = tpu.vector_load %arg9[%get3A_198, %get3A_199] {strides = array<i32>} : memref<128x128xf32, #tpu.memory_space<vmem>>, vector<1x16xf32>,
      %get3A_201 = vector.shape_cast %get3A_200 : vector<1x16xf32> to vector<16xf32>
      %add3A_202 = arith.addf %add3A_197, %get3A_201 : vector<16xf32>
      %mul3A_203 = arith.constant 2.500000e-01 : f32
      %mul3A_204 = vector.broadcast %mul3A_203 : f32 to vector<16xf32>
      %mul3A_205 = arith.mulf %add3A_202, %mul3A_204 : vector<16xf32>
      %swap3A_206 = arith.index_cast %scan3A_158 : i32 to index
      %swap3A_207 = arith.constant 16 : index
      %swap3A_208 = tpu.vector_load %arg10[%swap3A_206, %swap3A_207] {strides = array<i32>} : memref<128x128xf32, #tpu.memory_space<vmem>>, vector<1x16xf32>,
      %swap3A_209 = vector.shape_cast %swap3A_208 : vector<1x16xf32> to vector<16xf32>
      %swap3A_210 = vector.shape_cast %mul3A_205 : vector<16xf32> to vector<1x16xf32>
      tpu.vector_store %arg10[%swap3A_206, %swap3A_207], %swap3A_210 {strides = array<i32>} : memref<128x128xf32, #tpu.memory_space<vmem>>, vector<1x16xf32>,
      %get3A_211 = arith.index_cast %scan3A_158 : i32 to index
      %get3A_212 = arith.constant 32 : index
      %get3A_213 = tpu.vector_load %arg6[%get3A_211, %get3A_212] {strides = array<i32>} : memref<128x128xf32, #tpu.memory_space<vmem>>, vector<1x16xf32>,
      %get3A_214 = vector.shape_cast %get3A_213 : vector<1x16xf32> to vector<16xf32>
      %get3A_215 = arith.index_cast %scan3A_158 : i32 to index
      %get3A_216 = arith.constant 32 : index
      %get3A_217 = tpu.vector_load %arg7[%get3A_215, %get3A_216] {strides = array<i32>} : memref<128x128xf32, #tpu.memory_space<vmem>>, vector<1x16xf32>,
      %get3A_218 = vector.shape_cast %get3A_217 : vector<1x16xf32> to vector<16xf32>
      %add3A_219 = arith.addf %get3A_214, %get3A_218 : vector<16xf32>
      %get3A_220 = arith.index_cast %scan3A_158 : i32 to index
      %get3A_221 = arith.constant 32 : index
      %get3A_222 = tpu.vector_load %arg8[%get3A_220, %get3A_221] {strides = array<i32>} : memref<128x128xf32, #tpu.memory_space<vmem>>, vector<1x16xf32>,
      %get3A_223 = vector.shape_cast %get3A_222 : vector<1x16xf32> to vector<16xf32>
      %add3A_224 = arith.addf %add3A_219, %get3A_223 : vector<16xf32>
      %get3A_225 = arith.index_cast %scan3A_158 : i32 to index
      %get3A_226 = arith.constant 32 : index
      %get3A_227 = tpu.vector_load %arg9[%get3A_225, %get3A_226] {strides = array<i32>} : memref<128x128xf32, #tpu.memory_space<vmem>>, vector<1x16xf32>,
      %get3A_228 = vector.shape_cast %get3A_227 : vector<1x16xf32> to vector<16xf32>
      %add3A_229 = arith.addf %add3A_224, %get3A_228 : vector<16xf32>
      %mul3A_230 = arith.constant 2.500000e-01 : f32
      %mul3A_231 = vector.broadcast %mul3A_230 : f32 to vector<16xf32>
      %mul3A_232 = arith.mulf %add3A_229, %mul3A_231 : vector<16xf32>
      %swap3A_233 = arith.index_cast %scan3A_158 : i32 to index
      %swap3A_234 = arith.constant 32 : index
      %swap3A_235 = tpu.vector_load %arg10[%swap3A_233, %swap3A_234] {strides = array<i32>} : memref<128x128xf32, #tpu.memory_space<vmem>>, vector<1x16xf32>,
      %swap3A_236 = vector.shape_cast %swap3A_235 : vector<1x16xf32> to vector<16xf32>
      %swap3A_237 = vector.shape_cast %mul3A_232 : vector<16xf32> to vector<1x16xf32>
      tpu.vector_store %arg10[%swap3A_233, %swap3A_234], %swap3A_237 {strides = array<i32>} : memref<128x128xf32, #tpu.memory_space<vmem>>, vector<1x16xf32>,
      %get3A_238 = arith.index_cast %scan3A_158 : i32 to index
      %get3A_239 = arith.constant 48 : index
      %get3A_240 = tpu.vector_load %arg6[%get3A_238, %get3A_239] {strides = array<i32>} : memref<128x128xf32, #tpu.memory_space<vmem>>, vector<1x16xf32>,
      %get3A_241 = vector.shape_cast %get3A_240 : vector<1x16xf32> to vector<16xf32>
      %get3A_242 = arith.index_cast %scan3A_158 : i32 to index
      %get3A_243 = arith.constant 48 : index
      %get3A_244 = tpu.vector_load %arg7[%get3A_242, %get3A_243] {strides = array<i32>} : memref<128x128xf32, #tpu.memory_space<vmem>>, vector<1x16xf32>,
      %get3A_245 = vector.shape_cast %get3A_244 : vector<1x16xf32> to vector<16xf32>
      %add3A_246 = arith.addf %get3A_241, %get3A_245 : vector<16xf32>
      %get3A_247 = arith.index_cast %scan3A_158 : i32 to index
      %get3A_248 = arith.constant 48 : index
      %get3A_249 = tpu.vector_load %arg8[%get3A_247, %get3A_248] {strides = array<i32>} : memref<128x128xf32, #tpu.memory_space<vmem>>, vector<1x16xf32>,
      %get3A_250 = vector.shape_cast %get3A_249 : vector<1x16xf32> to vector<16xf32>
      %add3A_251 = arith.addf %add3A_246, %get3A_250 : vector<16xf32>
      %get3A_252 = arith.index_cast %scan3A_158 : i32 to index
      %get3A_253 = arith.constant 48 : index
      %get3A_254 = tpu.vector_load %arg9[%get3A_252, %get3A_253] {strides = array<i32>} : memref<128x128xf32, #tpu.memory_space<vmem>>, vector<1x16xf32>,
      %get3A_255 = vector.shape_cast %get3A_254 : vector<1x16xf32> to vector<16xf32>
      %add3A_256 = arith.addf %add3A_251, %get3A_255 : vector<16xf32>
      %mul3A_257 = arith.constant 2.500000e-01 : f32
      %mul3A_258 = vector.broadcast %mul3A_257 : f32 to vector<16xf32>
      %mul3A_259 = arith.mulf %add3A_256, %mul3A_258 : vector<16xf32>
      %swap3A_260 = arith.index_cast %scan3A_158 : i32 to index
      %swap3A_261 = arith.constant 48 : index
      %swap3A_262 = tpu.vector_load %arg10[%swap3A_260, %swap3A_261] {strides = array<i32>} : memref<128x128xf32, #tpu.memory_space<vmem>>, vector<1x16xf32>,
      %swap3A_263 = vector.shape_cast %swap3A_262 : vector<1x16xf32> to vector<16xf32>
      %swap3A_264 = vector.shape_cast %mul3A_259 : vector<16xf32> to vector<1x16xf32>
      tpu.vector_store %arg10[%swap3A_260, %swap3A_261], %swap3A_264 {strides = array<i32>} : memref<128x128xf32, #tpu.memory_space<vmem>>, vector<1x16xf32>,
      %get3A_265 = arith.index_cast %scan3A_158 : i32 to index
      %get3A_266 = arith.constant 64 : index
      %get3A_267 = tpu.vector_load %arg6[%get3A_265, %get3A_266] {strides = array<i32>} : memref<128x128xf32, #tpu.memory_space<vmem>>, vector<1x16xf32>,
      %get3A_268 = vector.shape_cast %get3A_267 : vector<1x16xf32> to vector<16xf32>
      %get3A_269 = arith.index_cast %scan3A_158 : i32 to index
      %get3A_270 = arith.constant 64 : index
      %get3A_271 = tpu.vector_load %arg7[%get3A_269, %get3A_270] {strides = array<i32>} : memref<128x128xf32, #tpu.memory_space<vmem>>, vector<1x16xf32>,
      %get3A_272 = vector.shape_cast %get3A_271 : vector<1x16xf32> to vector<16xf32>
      %add3A_273 = arith.addf %get3A_268, %get3A_272 : vector<16xf32>
      %get3A_274 = arith.index_cast %scan3A_158 : i32 to index
      %get3A_275 = arith.constant 64 : index
      %get3A_276 = tpu.vector_load %arg8[%get3A_274, %get3A_275] {strides = array<i32>} : memref<128x128xf32, #tpu.memory_space<vmem>>, vector<1x16xf32>,
      %get3A_277 = vector.shape_cast %get3A_276 : vector<1x16xf32> to vector<16xf32>
      %add3A_278 = arith.addf %add3A_273, %get3A_277 : vector<16xf32>
      %get3A_279 = arith.index_cast %scan3A_158 : i32 to index
      %get3A_280 = arith.constant 64 : index
      %get3A_281 = tpu.vector_load %arg9[%get3A_279, %get3A_280] {strides = array<i32>} : memref<128x128xf32, #tpu.memory_space<vmem>>, vector<1x16xf32>,
      %get3A_282 = vector.shape_cast %get3A_281 : vector<1x16xf32> to vector<16xf32>
      %add3A_283 = arith.addf %add3A_278, %get3A_282 : vector<16xf32>
      %mul3A_284 = arith.constant 2.500000e-01 : f32
      %mul3A_285 = vector.broadcast %mul3A_284 : f32 to vector<16xf32>
      %mul3A_286 = arith.mulf %add3A_283, %mul3A_285 : vector<16xf32>
      %swap3A_287 = arith.index_cast %scan3A_158 : i32 to index
      %swap3A_288 = arith.constant 64 : index
      %swap3A_289 = tpu.vector_load %arg10[%swap3A_287, %swap3A_288] {strides = array<i32>} : memref<128x128xf32, #tpu.memory_space<vmem>>, vector<1x16xf32>,
      %swap3A_290 = vector.shape_cast %swap3A_289 : vector<1x16xf32> to vector<16xf32>
      %swap3A_291 = vector.shape_cast %mul3A_286 : vector<16xf32> to vector<1x16xf32>
      tpu.vector_store %arg10[%swap3A_287, %swap3A_288], %swap3A_291 {strides = array<i32>} : memref<128x128xf32, #tpu.memory_space<vmem>>, vector<1x16xf32>,
      %get3A_292 = arith.index_cast %scan3A_158 : i32 to index
      %get3A_293 = arith.constant 80 : index
      %get3A_294 = tpu.vector_load %arg6[%get3A_292, %get3A_293] {strides = array<i32>} : memref<128x128xf32, #tpu.memory_space<vmem>>, vector<1x16xf32>,
      %get3A_295 = vector.shape_cast %get3A_294 : vector<1x16xf32> to vector<16xf32>
      %get3A_296 = arith.index_cast %scan3A_158 : i32 to index
      %get3A_297 = arith.constant 80 : index
      %get3A_298 = tpu.vector_load %arg7[%get3A_296, %get3A_297] {strides = array<i32>} : memref<128x128xf32, #tpu.memory_space<vmem>>, vector<1x16xf32>,
      %get3A_299 = vector.shape_cast %get3A_298 : vector<1x16xf32> to vector<16xf32>
      %add3A_300 = arith.addf %get3A_295, %get3A_299 : vector<16xf32>
      %get3A_301 = arith.index_cast %scan3A_158 : i32 to index
      %get3A_302 = arith.constant 80 : index
      %get3A_303 = tpu.vector_load %arg8[%get3A_301, %get3A_302] {strides = array<i32>} : memref<128x128xf32, #tpu.memory_space<vmem>>, vector<1x16xf32>,
      %get3A_304 = vector.shape_cast %get3A_303 : vector<1x16xf32> to vector<16xf32>
      %add3A_305 = arith.addf %add3A_300, %get3A_304 : vector<16xf32>
      %get3A_306 = arith.index_cast %scan3A_158 : i32 to index
      %get3A_307 = arith.constant 80 : index
      %get3A_308 = tpu.vector_load %arg9[%get3A_306, %get3A_307] {strides = array<i32>} : memref<128x128xf32, #tpu.memory_space<vmem>>, vector<1x16xf32>,
      %get3A_309 = vector.shape_cast %get3A_308 : vector<1x16xf32> to vector<16xf32>
      %add3A_310 = arith.addf %add3A_305, %get3A_309 : vector<16xf32>
      %mul3A_311 = arith.constant 2.500000e-01 : f32
      %mul3A_312 = vector.broadcast %mul3A_311 : f32 to vector<16xf32>
      %mul3A_313 = arith.mulf %add3A_310, %mul3A_312 : vector<16xf32>
      %swap3A_314 = arith.index_cast %scan3A_158 : i32 to index
      %swap3A_315 = arith.constant 80 : index
      %swap3A_316 = tpu.vector_load %arg10[%swap3A_314, %swap3A_315] {strides = array<i32>} : memref<128x128xf32, #tpu.memory_space<vmem>>, vector<1x16xf32>,
      %swap3A_317 = vector.shape_cast %swap3A_316 : vector<1x16xf32> to vector<16xf32>
      %swap3A_318 = vector.shape_cast %mul3A_313 : vector<16xf32> to vector<1x16xf32>
      tpu.vector_store %arg10[%swap3A_314, %swap3A_315], %swap3A_318 {strides = array<i32>} : memref<128x128xf32, #tpu.memory_space<vmem>>, vector<1x16xf32>,
      %get3A_319 = arith.index_cast %scan3A_158 : i32 to index
      %get3A_320 = arith.constant 96 : index
      %get3A_321 = tpu.vector_load %arg6[%get3A_319, %get3A_320] {strides = array<i32>} : memref<128x128xf32, #tpu.memory_space<vmem>>, vector<1x16xf32>,
      %get3A_322 = vector.shape_cast %get3A_321 : vector<1x16xf32> to vector<16xf32>
      %get3A_323 = arith.index_cast %scan3A_158 : i32 to index
      %get3A_324 = arith.constant 96 : index
      %get3A_325 = tpu.vector_load %arg7[%get3A_323, %get3A_324] {strides = array<i32>} : memref<128x128xf32, #tpu.memory_space<vmem>>, vector<1x16xf32>,
      %get3A_326 = vector.shape_cast %get3A_325 : vector<1x16xf32> to vector<16xf32>
      %add3A_327 = arith.addf %get3A_322, %get3A_326 : vector<16xf32>
      %get3A_328 = arith.index_cast %scan3A_158 : i32 to index
      %get3A_329 = arith.constant 96 : index
      %get3A_330 = tpu.vector_load %arg8[%get3A_328, %get3A_329] {strides = array<i32>} : memref<128x128xf32, #tpu.memory_space<vmem>>, vector<1x16xf32>,
      %get3A_331 = vector.shape_cast %get3A_330 : vector<1x16xf32> to vector<16xf32>
      %add3A_332 = arith.addf %add3A_327, %get3A_331 : vector<16xf32>
      %get3A_333 = arith.index_cast %scan3A_158 : i32 to index
      %get3A_334 = arith.constant 96 : index
      %get3A_335 = tpu.vector_load %arg9[%get3A_333, %get3A_334] {strides = array<i32>} : memref<128x128xf32, #tpu.memory_space<vmem>>, vector<1x16xf32>,
      %get3A_336 = vector.shape_cast %get3A_335 : vector<1x16xf32> to vector<16xf32>
      %add3A_337 = arith.addf %add3A_332, %get3A_336 : vector<16xf32>
      %mul3A_338 = arith.constant 2.500000e-01 : f32
      %mul3A_339 = vector.broadcast %mul3A_338 : f32 to vector<16xf32>
      %mul3A_340 = arith.mulf %add3A_337, %mul3A_339 : vector<16xf32>
      %swap3A_341 = arith.index_cast %scan3A_158 : i32 to index
      %swap3A_342 = arith.constant 96 : index
      %swap3A_343 = tpu.vector_load %arg10[%swap3A_341, %swap3A_342] {strides = array<i32>} : memref<128x128xf32, #tpu.memory_space<vmem>>, vector<1x16xf32>,
      %swap3A_344 = vector.shape_cast %swap3A_343 : vector<1x16xf32> to vector<16xf32>
      %swap3A_345 = vector.shape_cast %mul3A_340 : vector<16xf32> to vector<1x16xf32>
      tpu.vector_store %arg10[%swap3A_341, %swap3A_342], %swap3A_345 {strides = array<i32>} : memref<128x128xf32, #tpu.memory_space<vmem>>, vector<1x16xf32>,
      %get3A_346 = arith.index_cast %scan3A_158 : i32 to index
      %get3A_347 = arith.constant 112 : index
      %get3A_348 = tpu.vector_load %arg6[%get3A_346, %get3A_347] {strides = array<i32>} : memref<128x128xf32, #tpu.memory_space<vmem>>, vector<1x16xf32>,
      %get3A_349 = vector.shape_cast %get3A_348 : vector<1x16xf32> to vector<16xf32>
      %get3A_350 = arith.index_cast %scan3A_158 : i32 to index
      %get3A_351 = arith.constant 112 : index
      %get3A_352 = tpu.vector_load %arg7[%get3A_350, %get3A_351] {strides = array<i32>} : memref<128x128xf32, #tpu.memory_space<vmem>>, vector<1x16xf32>,
      %get3A_353 = vector.shape_cast %get3A_352 : vector<1x16xf32> to vector<16xf32>
      %add3A_354 = arith.addf %get3A_349, %get3A_353 : vector<16xf32>
      %get3A_355 = arith.index_cast %scan3A_158 : i32 to index
      %get3A_356 = arith.constant 112 : index
      %get3A_357 = tpu.vector_load %arg8[%get3A_355, %get3A_356] {strides = array<i32>} : memref<128x128xf32, #tpu.memory_space<vmem>>, vector<1x16xf32>,
      %get3A_358 = vector.shape_cast %get3A_357 : vector<1x16xf32> to vector<16xf32>
      %add3A_359 = arith.addf %add3A_354, %get3A_358 : vector<16xf32>
      %get3A_360 = arith.index_cast %scan3A_158 : i32 to index
      %get3A_361 = arith.constant 112 : index
      %get3A_362 = tpu.vector_load %arg9[%get3A_360, %get3A_361] {strides = array<i32>} : memref<128x128xf32, #tpu.memory_space<vmem>>, vector<1x16xf32>,
      %get3A_363 = vector.shape_cast %get3A_362 : vector<1x16xf32> to vector<16xf32>
      %add3A_364 = arith.addf %add3A_359, %get3A_363 : vector<16xf32>
      %mul3A_365 = arith.constant 2.500000e-01 : f32
      %mul3A_366 = vector.broadcast %mul3A_365 : f32 to vector<16xf32>
      %mul3A_367 = arith.mulf %add3A_364, %mul3A_366 : vector<16xf32>
      %swap3A_368 = arith.index_cast %scan3A_158 : i32 to index
      %swap3A_369 = arith.constant 112 : index
      %swap3A_370 = tpu.vector_load %arg10[%swap3A_368, %swap3A_369] {strides = array<i32>} : memref<128x128xf32, #tpu.memory_space<vmem>>, vector<1x16xf32>,
      %swap3A_371 = vector.shape_cast %swap3A_370 : vector<1x16xf32> to vector<16xf32>
      %swap3A_372 = vector.shape_cast %mul3A_367 : vector<16xf32> to vector<1x16xf32>
      tpu.vector_store %arg10[%swap3A_368, %swap3A_369], %swap3A_372 {strides = array<i32>} : memref<128x128xf32, #tpu.memory_space<vmem>>, vector<1x16xf32>,
    }
    %scan3A_157 = arith.constant 128 : i32
    "tpu.region"() ({
      %run_scoped3A = tpu.sem_alloc : memref<!tpu.dma_semaphore, #tpu.memory_space<semaphore_mem>>
      %dma_start3A_158 = arith.constant 0 : i32
      %dma_start3A_159 = tpu.memref_slice %arg4[%mul3A_2, %dma_start3A_158] : memref<4096x128xf32, #tpu.memory_space<hbm>> -> memref<128x128xf32, #tpu.memory_space<hbm>>
      %dma_start3A_160 = arith.constant 0 : i32
      %dma_start3A_161 = tpu.memref_slice %arg4[%mul3A_2, %dma_start3A_160] : memref<4096x128xf32, #tpu.memory_space<hbm>> -> memref<128x128xf32, #tpu.memory_space<hbm>>
      tpu.enqueue_dma source(%arg10 : memref<128x128xf32, #tpu.memory_space<vmem>>) target(%dma_start3A_161 : memref<128x128xf32, #tpu.memory_space<hbm>>) target_semaphore(%run_scoped3A : memref<!tpu.dma_semaphore, #tpu.memory_space<semaphore_mem>>)
      %dma_wait3A_162 = arith.constant 0 : i32
      %dma_wait3A_163 = tpu.memref_slice %arg4[%mul3A_2, %dma_wait3A_162] : memref<4096x128xf32, #tpu.memory_space<hbm>> -> memref<128x128xf32, #tpu.memory_space<hbm>>
      %dma_wait3A_164 = arith.constant 0 : i32
      %dma_wait3A_165 = tpu.memref_slice %arg4[%mul3A_2, %dma_wait3A_164] : memref<4096x128xf32, #tpu.memory_space<hbm>> -> memref<128x128xf32, #tpu.memory_space<hbm>>
      tpu.wait_dma2 semaphore(%run_scoped3A : memref<!tpu.dma_semaphore, #tpu.memory_space<semaphore_mem>>) src(%arg10 : memref<128x128xf32, #tpu.memory_space<vmem>>) dst(%dma_wait3A_165 : memref<128x128xf32, #tpu.memory_space<hbm>>)
      tpu.yield
    }) : () -> ()
    return
  }
}

module attributes {stable_mosaic.version = 14 : i64} {
  func.func @_topk_valt_body(%arg0: i32, %arg1: memref<2x1024xf32, #tpu.memory_space<vmem>>, %arg2: memref<2048x2xf32, #tpu.memory_space<vmem>>, %arg3: memref<1x2xf32, #tpu.memory_space<vmem>>, %arg4: memref<128x512xf32, #tpu.memory_space<vmem>>, %arg5: memref<8x1024xi32, #tpu.memory_space<vmem>>, %arg6: memref<512x128xf32, #tpu.memory_space<vmem>>) attributes {dimension_semantics = [#tpu.dimension_semantics<arbitrary>], iteration_bounds = array<i64: 4>, scalar_prefetch = 0 : i64, scratch_operands = 0 : i64, tpu.core_type = #tpu.core_type<tc>, window_params = [{transform_indices = @transform_0, window_bounds = array<i64: 2, 1024>}, {pipeline_mode = #tpu.pipeline_mode<synchronous>, transform_indices = @transform_1, window_bounds = array<i64: 2048, 2>}, {pipeline_mode = #tpu.pipeline_mode<synchronous>, transform_indices = @transform_2, window_bounds = array<i64: 1, 2>}, {transform_indices = @transform_3, window_bounds = array<i64: 128, 512>}, {transform_indices = @transform_4, window_bounds = array<i64: 8, 1024>}, {transform_indices = @transform_5, window_bounds = array<i64: 512, 128>}]} {
    %get3A = arith.constant 0 : index
    %get3A_0 = arith.constant 0 : index
    %get3A_1 = vector.load %arg3[%get3A, %get3A_0] : memref<1x2xf32, #tpu.memory_space<vmem>>, vector<1x2xf32>
    %get3A_2 = arith.constant 0 : index
    %get3A_3 = arith.constant 0 : index
    %get3A_4 = vector.load %arg1[%get3A_2, %get3A_3] : memref<2x1024xf32, #tpu.memory_space<vmem>>, vector<1x1024xf32>
    %slice3A = vector.extract_strided_slice %get3A_1 {offsets = [0, 0], sizes = [1, 1], strides = [1, 1]} : vector<1x2xf32> to vector<1x1xf32>
    %sub3A = vector.broadcast %slice3A : vector<1x1xf32> to vector<1x1024xf32>
    %sub3A_5 = arith.subf %get3A_4, %sub3A : vector<1x1024xf32>
    %get3A_6 = arith.constant 1 : index
    %get3A_7 = arith.constant 0 : index
    %get3A_8 = vector.load %arg1[%get3A_6, %get3A_7] : memref<2x1024xf32, #tpu.memory_space<vmem>>, vector<1x1024xf32>
    %slice3A_9 = vector.extract_strided_slice %get3A_1 {offsets = [0, 1], sizes = [1, 1], strides = [1, 1]} : vector<1x2xf32> to vector<1x1xf32>
    %sub3A_10 = vector.broadcast %slice3A_9 : vector<1x1xf32> to vector<1x1024xf32>
    %sub3A_11 = arith.subf %get3A_8, %sub3A_10 : vector<1x1024xf32>
    %get3A_12 = arith.constant 0 : index
    %get3A_13 = arith.constant 0 : index
    %get3A_14 = vector.load %arg2[%get3A_12, %get3A_13] : memref<2048x2xf32, #tpu.memory_space<vmem>>, vector<2048x2xf32>
    %slice3A_15 = vector.extract_strided_slice %get3A_14 {offsets = [0, 0], sizes = [2048, 1], strides = [1, 1]} : vector<2048x2xf32> to vector<2048x1xf32>
    %sub3A_16 = vector.broadcast %sub3A_5 : vector<1x1024xf32> to vector<2048x1024xf32>
    %sub3A_17 = vector.broadcast %slice3A_15 : vector<2048x1xf32> to vector<2048x1024xf32>
    %sub3A_18 = arith.subf %sub3A_16, %sub3A_17 : vector<2048x1024xf32>
    %slice3A_19 = vector.extract_strided_slice %get3A_14 {offsets = [0, 1], sizes = [2048, 1], strides = [1, 1]} : vector<2048x2xf32> to vector<2048x1xf32>
    %sub3A_20 = vector.broadcast %sub3A_11 : vector<1x1024xf32> to vector<2048x1024xf32>
    %sub3A_21 = vector.broadcast %slice3A_19 : vector<2048x1xf32> to vector<2048x1024xf32>
    %sub3A_22 = arith.subf %sub3A_20, %sub3A_21 : vector<2048x1024xf32>
    %mul3A = arith.mulf %sub3A_18, %sub3A_18 : vector<2048x1024xf32>
    %mul3A_23 = arith.mulf %sub3A_22, %sub3A_22 : vector<2048x1024xf32>
    %add3A = arith.addf %mul3A, %mul3A_23 : vector<2048x1024xf32>
    %iota3A = tpu.iota {dimensions = array<i32: 0>} : vector<2048x1xi32>
    %convert_element_type3A = arith.sitofp %iota3A : vector<2048x1xi32> to vector<2048x1xf32>
    %broadcast_in_dim3A = vector.shape_cast %convert_element_type3A : vector<2048x1xf32> to vector<2048x1xf32>
    %broadcast_in_dim3A_24 = vector.broadcast %broadcast_in_dim3A : vector<2048x1xf32> to vector<2048x1024xf32>
    %reduce_min3A = arith.constant dense<0x7F800000> : vector<1024xf32>
    %reduce_min3A_25 = vector.multi_reduction <minimumf>, %add3A, %reduce_min3A [0] : vector<2048x1024xf32> to vector<1024xf32>
    %broadcast_in_dim3A_26 = vector.shape_cast %reduce_min3A_25 : vector<1024xf32> to vector<1x1024xf32>
    %eq3A = vector.broadcast %broadcast_in_dim3A_26 : vector<1x1024xf32> to vector<2048x1024xf32>
    %eq3A_27 = arith.cmpf oeq, %add3A, %eq3A : vector<2048x1024xf32>
    %jit3A = arith.constant 2.048000e+03 : f32
    %broadcast_in_dim3A_28 = vector.broadcast %jit3A : f32 to vector<2048x1024xf32>
    %select_n3A = arith.select %eq3A_27, %broadcast_in_dim3A_24, %broadcast_in_dim3A_28 : vector<2048x1024xi1>, vector<2048x1024xf32>
    %reduce_min3A_29 = arith.constant dense<0x7F800000> : vector<1024xf32>
    %reduce_min3A_30 = vector.multi_reduction <minimumf>, %select_n3A, %reduce_min3A_29 [0] : vector<2048x1024xf32> to vector<1024xf32>
    %broadcast_in_dim3A_31 = vector.shape_cast %reduce_min3A_30 : vector<1024xf32> to vector<1x1024xf32>
    %eq3A_32 = vector.broadcast %broadcast_in_dim3A_31 : vector<1x1024xf32> to vector<2048x1024xf32>
    %eq3A_33 = arith.cmpf oeq, %broadcast_in_dim3A_24, %eq3A_32 : vector<2048x1024xf32>
    %jit3A_34 = arith.constant 0x7F800000 : f32
    %broadcast_in_dim3A_35 = vector.broadcast %jit3A_34 : f32 to vector<2048x1024xf32>
    %select_n3A_36 = arith.select %eq3A_33, %broadcast_in_dim3A_35, %add3A : vector<2048x1024xi1>, vector<2048x1024xf32>
    %reduce_min3A_37 = arith.constant dense<0x7F800000> : vector<1024xf32>
    %reduce_min3A_38 = vector.multi_reduction <minimumf>, %select_n3A_36, %reduce_min3A_37 [0] : vector<2048x1024xf32> to vector<1024xf32>
    %broadcast_in_dim3A_39 = vector.shape_cast %reduce_min3A_38 : vector<1024xf32> to vector<1x1024xf32>
    %eq3A_40 = vector.broadcast %broadcast_in_dim3A_39 : vector<1x1024xf32> to vector<2048x1024xf32>
    %eq3A_41 = arith.cmpf oeq, %select_n3A_36, %eq3A_40 : vector<2048x1024xf32>
    %jit3A_42 = arith.constant 2.048000e+03 : f32
    %broadcast_in_dim3A_43 = vector.broadcast %jit3A_42 : f32 to vector<2048x1024xf32>
    %select_n3A_44 = arith.select %eq3A_41, %broadcast_in_dim3A_24, %broadcast_in_dim3A_43 : vector<2048x1024xi1>, vector<2048x1024xf32>
    %reduce_min3A_45 = arith.constant dense<0x7F800000> : vector<1024xf32>
    %reduce_min3A_46 = vector.multi_reduction <minimumf>, %select_n3A_44, %reduce_min3A_45 [0] : vector<2048x1024xf32> to vector<1024xf32>
    %broadcast_in_dim3A_47 = vector.shape_cast %reduce_min3A_46 : vector<1024xf32> to vector<1x1024xf32>
    %eq3A_48 = vector.broadcast %broadcast_in_dim3A_47 : vector<1x1024xf32> to vector<2048x1024xf32>
    %eq3A_49 = arith.cmpf oeq, %broadcast_in_dim3A_24, %eq3A_48 : vector<2048x1024xf32>
    %jit3A_50 = arith.constant 0x7F800000 : f32
    %broadcast_in_dim3A_51 = vector.broadcast %jit3A_50 : f32 to vector<2048x1024xf32>
    %select_n3A_52 = arith.select %eq3A_49, %broadcast_in_dim3A_51, %select_n3A_36 : vector<2048x1024xi1>, vector<2048x1024xf32>
    %reduce_min3A_53 = arith.constant dense<0x7F800000> : vector<1024xf32>
    %reduce_min3A_54 = vector.multi_reduction <minimumf>, %select_n3A_52, %reduce_min3A_53 [0] : vector<2048x1024xf32> to vector<1024xf32>
    %broadcast_in_dim3A_55 = vector.shape_cast %reduce_min3A_54 : vector<1024xf32> to vector<1x1024xf32>
    %eq3A_56 = vector.broadcast %broadcast_in_dim3A_55 : vector<1x1024xf32> to vector<2048x1024xf32>
    %eq3A_57 = arith.cmpf oeq, %select_n3A_52, %eq3A_56 : vector<2048x1024xf32>
    %jit3A_58 = arith.constant 2.048000e+03 : f32
    %broadcast_in_dim3A_59 = vector.broadcast %jit3A_58 : f32 to vector<2048x1024xf32>
    %select_n3A_60 = arith.select %eq3A_57, %broadcast_in_dim3A_24, %broadcast_in_dim3A_59 : vector<2048x1024xi1>, vector<2048x1024xf32>
    %reduce_min3A_61 = arith.constant dense<0x7F800000> : vector<1024xf32>
    %reduce_min3A_62 = vector.multi_reduction <minimumf>, %select_n3A_60, %reduce_min3A_61 [0] : vector<2048x1024xf32> to vector<1024xf32>
    %broadcast_in_dim3A_63 = vector.shape_cast %reduce_min3A_62 : vector<1024xf32> to vector<1x1024xf32>
    %eq3A_64 = vector.broadcast %broadcast_in_dim3A_63 : vector<1x1024xf32> to vector<2048x1024xf32>
    %eq3A_65 = arith.cmpf oeq, %broadcast_in_dim3A_24, %eq3A_64 : vector<2048x1024xf32>
    %jit3A_66 = arith.constant 0x7F800000 : f32
    %broadcast_in_dim3A_67 = vector.broadcast %jit3A_66 : f32 to vector<2048x1024xf32>
    %select_n3A_68 = arith.select %eq3A_65, %broadcast_in_dim3A_67, %select_n3A_52 : vector<2048x1024xi1>, vector<2048x1024xf32>
    %reduce_min3A_69 = arith.constant dense<0x7F800000> : vector<1024xf32>
    %reduce_min3A_70 = vector.multi_reduction <minimumf>, %select_n3A_68, %reduce_min3A_69 [0] : vector<2048x1024xf32> to vector<1024xf32>
    %broadcast_in_dim3A_71 = vector.shape_cast %reduce_min3A_70 : vector<1024xf32> to vector<1x1024xf32>
    %eq3A_72 = vector.broadcast %broadcast_in_dim3A_71 : vector<1x1024xf32> to vector<2048x1024xf32>
    %eq3A_73 = arith.cmpf oeq, %select_n3A_68, %eq3A_72 : vector<2048x1024xf32>
    %jit3A_74 = arith.constant 2.048000e+03 : f32
    %broadcast_in_dim3A_75 = vector.broadcast %jit3A_74 : f32 to vector<2048x1024xf32>
    %select_n3A_76 = arith.select %eq3A_73, %broadcast_in_dim3A_24, %broadcast_in_dim3A_75 : vector<2048x1024xi1>, vector<2048x1024xf32>
    %reduce_min3A_77 = arith.constant dense<0x7F800000> : vector<1024xf32>
    %reduce_min3A_78 = vector.multi_reduction <minimumf>, %select_n3A_76, %reduce_min3A_77 [0] : vector<2048x1024xf32> to vector<1024xf32>
    %broadcast_in_dim3A_79 = vector.shape_cast %reduce_min3A_78 : vector<1024xf32> to vector<1x1024xf32>
    %concatenate3A = tpu.concatenate %broadcast_in_dim3A_31, %broadcast_in_dim3A_47, %broadcast_in_dim3A_63, %broadcast_in_dim3A_79 in 0 : vector<1x1024xf32>, vector<1x1024xf32>, vector<1x1024xf32>, vector<1x1024xf32> -> vector<4x1024xf32>
    %convert_element_type3A_80 = arith.fptosi %concatenate3A : vector<4x1024xf32> to vector<4x1024xi32>
    %swap3A = arith.constant 0 : index
    %swap3A_81 = arith.constant 0 : index
    %swap3A_82 = vector.load %arg5[%swap3A, %swap3A_81] : memref<8x1024xi32, #tpu.memory_space<vmem>>, vector<4x1024xi32>
    tpu.vector_store %arg5[%swap3A, %swap3A_81], %convert_element_type3A_80 {strides = array<i32>} : memref<8x1024xi32, #tpu.memory_space<vmem>>, vector<4x1024xi32>,
    %get3A_83 = arith.constant 0 : index
    %get3A_84 = arith.constant 0 : index
    %get3A_85 = vector.load %arg4[%get3A_83, %get3A_84] : memref<128x512xf32, #tpu.memory_space<vmem>>, vector<128x512xf32>
    %transpose3A = tpu.transpose %get3A_85, [1, 0] : vector<128x512xf32> -> vector<512x128xf32>
    %swap3A_86 = arith.constant 0 : index
    %swap3A_87 = arith.constant 0 : index
    %swap3A_88 = vector.load %arg6[%swap3A_86, %swap3A_87] : memref<512x128xf32, #tpu.memory_space<vmem>>, vector<512x128xf32>
    tpu.vector_store %arg6[%swap3A_86, %swap3A_87], %transpose3A {strides = array<i32>} : memref<512x128xf32, #tpu.memory_space<vmem>>, vector<512x128xf32>,
    return
  }
  func.func @transform_0(%arg0: i32) -> (i32, i32) {
    %add3A = arith.constant 0 : i32
    %add3A_0 = arith.addi %arg0, %add3A : i32
    %c0_i32 = arith.constant 0 : i32
    %c0_i32_1 = arith.constant 0 : i32
    return %c0_i32, %add3A_0 : i32, i32
  }
  func.func @transform_1(%arg0: i32) -> (i32, i32) {
    %c0_i32 = arith.constant 0 : i32
    %c0_i32_0 = arith.constant 0 : i32
    %c0_i32_1 = arith.constant 0 : i32
    return %c0_i32, %c0_i32_0 : i32, i32
  }
  func.func @transform_2(%arg0: i32) -> (i32, i32) {
    %c0_i32 = arith.constant 0 : i32
    %c0_i32_0 = arith.constant 0 : i32
    %c0_i32_1 = arith.constant 0 : i32
    return %c0_i32, %c0_i32_0 : i32, i32
  }
  func.func @transform_3(%arg0: i32) -> (i32, i32) {
    %c0_i32 = arith.constant 0 : i32
    %c0_i32_0 = arith.constant 0 : i32
    return %c0_i32, %arg0 : i32, i32
  }
  func.func @transform_4(%arg0: i32) -> (i32, i32) {
    %c0_i32 = arith.constant 0 : i32
    %c0_i32_0 = arith.constant 0 : i32
    return %c0_i32, %arg0 : i32, i32
  }
  func.func @transform_5(%arg0: i32) -> (i32, i32) {
    %c0_i32 = arith.constant 0 : i32
    %c0_i32_0 = arith.constant 0 : i32
    return %arg0, %c0_i32 : i32, i32
  }
}

module attributes {stable_mosaic.version = 14 : i64} {
  func.func @_topk_body(%arg0: i32, %arg1: memref<2x1024xf32, #tpu.memory_space<vmem>>, %arg2: memref<2048x2xf32, #tpu.memory_space<vmem>>, %arg3: memref<1x2xf32, #tpu.memory_space<vmem>>, %arg4: memref<8x1024xi32, #tpu.memory_space<vmem>>) attributes {dimension_semantics = [#tpu.dimension_semantics<arbitrary>], iteration_bounds = array<i64: 4>, scalar_prefetch = 0 : i64, scratch_operands = 0 : i64, tpu.core_type = #tpu.core_type<tc>, window_params = [{transform_indices = @transform_0, window_bounds = array<i64: 2, 1024>}, {pipeline_mode = #tpu.pipeline_mode<synchronous>, transform_indices = @transform_1, window_bounds = array<i64: 2048, 2>}, {pipeline_mode = #tpu.pipeline_mode<synchronous>, transform_indices = @transform_2, window_bounds = array<i64: 1, 2>}, {transform_indices = @transform_3, window_bounds = array<i64: 8, 1024>}]} {
    %get3A = arith.constant 0 : index
    %get3A_0 = arith.constant 0 : index
    %get3A_1 = vector.load %arg3[%get3A, %get3A_0] : memref<1x2xf32, #tpu.memory_space<vmem>>, vector<1x2xf32>
    %get3A_2 = arith.constant 0 : index
    %get3A_3 = arith.constant 0 : index
    %get3A_4 = vector.load %arg1[%get3A_2, %get3A_3] : memref<2x1024xf32, #tpu.memory_space<vmem>>, vector<1x1024xf32>
    %slice3A = vector.extract_strided_slice %get3A_1 {offsets = [0, 0], sizes = [1, 1], strides = [1, 1]} : vector<1x2xf32> to vector<1x1xf32>
    %sub3A = vector.broadcast %slice3A : vector<1x1xf32> to vector<1x1024xf32>
    %sub3A_5 = arith.subf %get3A_4, %sub3A : vector<1x1024xf32>
    %get3A_6 = arith.constant 1 : index
    %get3A_7 = arith.constant 0 : index
    %get3A_8 = vector.load %arg1[%get3A_6, %get3A_7] : memref<2x1024xf32, #tpu.memory_space<vmem>>, vector<1x1024xf32>
    %slice3A_9 = vector.extract_strided_slice %get3A_1 {offsets = [0, 1], sizes = [1, 1], strides = [1, 1]} : vector<1x2xf32> to vector<1x1xf32>
    %sub3A_10 = vector.broadcast %slice3A_9 : vector<1x1xf32> to vector<1x1024xf32>
    %sub3A_11 = arith.subf %get3A_8, %sub3A_10 : vector<1x1024xf32>
    %get3A_12 = arith.constant 0 : index
    %get3A_13 = arith.constant 0 : index
    %get3A_14 = vector.load %arg2[%get3A_12, %get3A_13] : memref<2048x2xf32, #tpu.memory_space<vmem>>, vector<2048x2xf32>
    %slice3A_15 = vector.extract_strided_slice %get3A_14 {offsets = [0, 0], sizes = [2048, 1], strides = [1, 1]} : vector<2048x2xf32> to vector<2048x1xf32>
    %sub3A_16 = vector.broadcast %sub3A_5 : vector<1x1024xf32> to vector<2048x1024xf32>
    %sub3A_17 = vector.broadcast %slice3A_15 : vector<2048x1xf32> to vector<2048x1024xf32>
    %sub3A_18 = arith.subf %sub3A_16, %sub3A_17 : vector<2048x1024xf32>
    %slice3A_19 = vector.extract_strided_slice %get3A_14 {offsets = [0, 1], sizes = [2048, 1], strides = [1, 1]} : vector<2048x2xf32> to vector<2048x1xf32>
    %sub3A_20 = vector.broadcast %sub3A_11 : vector<1x1024xf32> to vector<2048x1024xf32>
    %sub3A_21 = vector.broadcast %slice3A_19 : vector<2048x1xf32> to vector<2048x1024xf32>
    %sub3A_22 = arith.subf %sub3A_20, %sub3A_21 : vector<2048x1024xf32>
    %mul3A = arith.mulf %sub3A_18, %sub3A_18 : vector<2048x1024xf32>
    %mul3A_23 = arith.mulf %sub3A_22, %sub3A_22 : vector<2048x1024xf32>
    %add3A = arith.addf %mul3A, %mul3A_23 : vector<2048x1024xf32>
    %iota3A = tpu.iota {dimensions = array<i32: 0>} : vector<2048x1xi32>
    %convert_element_type3A = arith.sitofp %iota3A : vector<2048x1xi32> to vector<2048x1xf32>
    %broadcast_in_dim3A = vector.shape_cast %convert_element_type3A : vector<2048x1xf32> to vector<2048x1xf32>
    %broadcast_in_dim3A_24 = vector.broadcast %broadcast_in_dim3A : vector<2048x1xf32> to vector<2048x1024xf32>
    %reduce_min3A = arith.constant dense<0x7F800000> : vector<1024xf32>
    %reduce_min3A_25 = vector.multi_reduction <minimumf>, %add3A, %reduce_min3A [0] : vector<2048x1024xf32> to vector<1024xf32>
    %broadcast_in_dim3A_26 = vector.shape_cast %reduce_min3A_25 : vector<1024xf32> to vector<1x1024xf32>
    %eq3A = vector.broadcast %broadcast_in_dim3A_26 : vector<1x1024xf32> to vector<2048x1024xf32>
    %eq3A_27 = arith.cmpf oeq, %add3A, %eq3A : vector<2048x1024xf32>
    %jit3A = arith.constant 2.048000e+03 : f32
    %broadcast_in_dim3A_28 = vector.broadcast %jit3A : f32 to vector<2048x1024xf32>
    %select_n3A = arith.select %eq3A_27, %broadcast_in_dim3A_24, %broadcast_in_dim3A_28 : vector<2048x1024xi1>, vector<2048x1024xf32>
    %reduce_min3A_29 = arith.constant dense<0x7F800000> : vector<1024xf32>
    %reduce_min3A_30 = vector.multi_reduction <minimumf>, %select_n3A, %reduce_min3A_29 [0] : vector<2048x1024xf32> to vector<1024xf32>
    %broadcast_in_dim3A_31 = vector.shape_cast %reduce_min3A_30 : vector<1024xf32> to vector<1x1024xf32>
    %eq3A_32 = vector.broadcast %broadcast_in_dim3A_31 : vector<1x1024xf32> to vector<2048x1024xf32>
    %eq3A_33 = arith.cmpf oeq, %broadcast_in_dim3A_24, %eq3A_32 : vector<2048x1024xf32>
    %jit3A_34 = arith.constant 0x7F800000 : f32
    %broadcast_in_dim3A_35 = vector.broadcast %jit3A_34 : f32 to vector<2048x1024xf32>
    %select_n3A_36 = arith.select %eq3A_33, %broadcast_in_dim3A_35, %add3A : vector<2048x1024xi1>, vector<2048x1024xf32>
    %reduce_min3A_37 = arith.constant dense<0x7F800000> : vector<1024xf32>
    %reduce_min3A_38 = vector.multi_reduction <minimumf>, %select_n3A_36, %reduce_min3A_37 [0] : vector<2048x1024xf32> to vector<1024xf32>
    %broadcast_in_dim3A_39 = vector.shape_cast %reduce_min3A_38 : vector<1024xf32> to vector<1x1024xf32>
    %eq3A_40 = vector.broadcast %broadcast_in_dim3A_39 : vector<1x1024xf32> to vector<2048x1024xf32>
    %eq3A_41 = arith.cmpf oeq, %select_n3A_36, %eq3A_40 : vector<2048x1024xf32>
    %jit3A_42 = arith.constant 2.048000e+03 : f32
    %broadcast_in_dim3A_43 = vector.broadcast %jit3A_42 : f32 to vector<2048x1024xf32>
    %select_n3A_44 = arith.select %eq3A_41, %broadcast_in_dim3A_24, %broadcast_in_dim3A_43 : vector<2048x1024xi1>, vector<2048x1024xf32>
    %reduce_min3A_45 = arith.constant dense<0x7F800000> : vector<1024xf32>
    %reduce_min3A_46 = vector.multi_reduction <minimumf>, %select_n3A_44, %reduce_min3A_45 [0] : vector<2048x1024xf32> to vector<1024xf32>
    %broadcast_in_dim3A_47 = vector.shape_cast %reduce_min3A_46 : vector<1024xf32> to vector<1x1024xf32>
    %eq3A_48 = vector.broadcast %broadcast_in_dim3A_47 : vector<1x1024xf32> to vector<2048x1024xf32>
    %eq3A_49 = arith.cmpf oeq, %broadcast_in_dim3A_24, %eq3A_48 : vector<2048x1024xf32>
    %jit3A_50 = arith.constant 0x7F800000 : f32
    %broadcast_in_dim3A_51 = vector.broadcast %jit3A_50 : f32 to vector<2048x1024xf32>
    %select_n3A_52 = arith.select %eq3A_49, %broadcast_in_dim3A_51, %select_n3A_36 : vector<2048x1024xi1>, vector<2048x1024xf32>
    %reduce_min3A_53 = arith.constant dense<0x7F800000> : vector<1024xf32>
    %reduce_min3A_54 = vector.multi_reduction <minimumf>, %select_n3A_52, %reduce_min3A_53 [0] : vector<2048x1024xf32> to vector<1024xf32>
    %broadcast_in_dim3A_55 = vector.shape_cast %reduce_min3A_54 : vector<1024xf32> to vector<1x1024xf32>
    %eq3A_56 = vector.broadcast %broadcast_in_dim3A_55 : vector<1x1024xf32> to vector<2048x1024xf32>
    %eq3A_57 = arith.cmpf oeq, %select_n3A_52, %eq3A_56 : vector<2048x1024xf32>
    %jit3A_58 = arith.constant 2.048000e+03 : f32
    %broadcast_in_dim3A_59 = vector.broadcast %jit3A_58 : f32 to vector<2048x1024xf32>
    %select_n3A_60 = arith.select %eq3A_57, %broadcast_in_dim3A_24, %broadcast_in_dim3A_59 : vector<2048x1024xi1>, vector<2048x1024xf32>
    %reduce_min3A_61 = arith.constant dense<0x7F800000> : vector<1024xf32>
    %reduce_min3A_62 = vector.multi_reduction <minimumf>, %select_n3A_60, %reduce_min3A_61 [0] : vector<2048x1024xf32> to vector<1024xf32>
    %broadcast_in_dim3A_63 = vector.shape_cast %reduce_min3A_62 : vector<1024xf32> to vector<1x1024xf32>
    %eq3A_64 = vector.broadcast %broadcast_in_dim3A_63 : vector<1x1024xf32> to vector<2048x1024xf32>
    %eq3A_65 = arith.cmpf oeq, %broadcast_in_dim3A_24, %eq3A_64 : vector<2048x1024xf32>
    %jit3A_66 = arith.constant 0x7F800000 : f32
    %broadcast_in_dim3A_67 = vector.broadcast %jit3A_66 : f32 to vector<2048x1024xf32>
    %select_n3A_68 = arith.select %eq3A_65, %broadcast_in_dim3A_67, %select_n3A_52 : vector<2048x1024xi1>, vector<2048x1024xf32>
    %reduce_min3A_69 = arith.constant dense<0x7F800000> : vector<1024xf32>
    %reduce_min3A_70 = vector.multi_reduction <minimumf>, %select_n3A_68, %reduce_min3A_69 [0] : vector<2048x1024xf32> to vector<1024xf32>
    %broadcast_in_dim3A_71 = vector.shape_cast %reduce_min3A_70 : vector<1024xf32> to vector<1x1024xf32>
    %eq3A_72 = vector.broadcast %broadcast_in_dim3A_71 : vector<1x1024xf32> to vector<2048x1024xf32>
    %eq3A_73 = arith.cmpf oeq, %select_n3A_68, %eq3A_72 : vector<2048x1024xf32>
    %jit3A_74 = arith.constant 2.048000e+03 : f32
    %broadcast_in_dim3A_75 = vector.broadcast %jit3A_74 : f32 to vector<2048x1024xf32>
    %select_n3A_76 = arith.select %eq3A_73, %broadcast_in_dim3A_24, %broadcast_in_dim3A_75 : vector<2048x1024xi1>, vector<2048x1024xf32>
    %reduce_min3A_77 = arith.constant dense<0x7F800000> : vector<1024xf32>
    %reduce_min3A_78 = vector.multi_reduction <minimumf>, %select_n3A_76, %reduce_min3A_77 [0] : vector<2048x1024xf32> to vector<1024xf32>
    %broadcast_in_dim3A_79 = vector.shape_cast %reduce_min3A_78 : vector<1024xf32> to vector<1x1024xf32>
    %concatenate3A = tpu.concatenate %broadcast_in_dim3A_31, %broadcast_in_dim3A_47, %broadcast_in_dim3A_63, %broadcast_in_dim3A_79 in 0 : vector<1x1024xf32>, vector<1x1024xf32>, vector<1x1024xf32>, vector<1x1024xf32> -> vector<4x1024xf32>
    %convert_element_type3A_80 = arith.fptosi %concatenate3A : vector<4x1024xf32> to vector<4x1024xi32>
    %swap3A = arith.constant 0 : index
    %swap3A_81 = arith.constant 0 : index
    %swap3A_82 = vector.load %arg4[%swap3A, %swap3A_81] : memref<8x1024xi32, #tpu.memory_space<vmem>>, vector<4x1024xi32>
    tpu.vector_store %arg4[%swap3A, %swap3A_81], %convert_element_type3A_80 {strides = array<i32>} : memref<8x1024xi32, #tpu.memory_space<vmem>>, vector<4x1024xi32>,
    return
  }
  func.func @transform_0(%arg0: i32) -> (i32, i32) {
    %add3A = arith.constant 4 : i32
    %add3A_0 = arith.addi %arg0, %add3A : i32
    %c0_i32 = arith.constant 0 : i32
    %c0_i32_1 = arith.constant 0 : i32
    return %c0_i32, %add3A_0 : i32, i32
  }
  func.func @transform_1(%arg0: i32) -> (i32, i32) {
    %c0_i32 = arith.constant 0 : i32
    %c0_i32_0 = arith.constant 0 : i32
    %c0_i32_1 = arith.constant 0 : i32
    return %c0_i32, %c0_i32_0 : i32, i32
  }
  func.func @transform_2(%arg0: i32) -> (i32, i32) {
    %c0_i32 = arith.constant 0 : i32
    %c0_i32_0 = arith.constant 0 : i32
    %c0_i32_1 = arith.constant 0 : i32
    return %c0_i32, %c0_i32_0 : i32, i32
  }
  func.func @transform_3(%arg0: i32) -> (i32, i32) {
    %c0_i32 = arith.constant 0 : i32
    %c0_i32_0 = arith.constant 0 : i32
    return %c0_i32, %arg0 : i32, i32
  }
}

module attributes {stable_mosaic.version = 14 : i64} {
  func.func @_tr_body(%arg0: i32, %arg1: memref<2048x128xf32, #tpu.memory_space<vmem>>, %arg2: memref<2048x128xf32, #tpu.memory_space<vmem>>, %arg3: memref<128x2048xf32, #tpu.memory_space<vmem>>) attributes {dimension_semantics = [#tpu.dimension_semantics<arbitrary>], iteration_bounds = array<i64: 4>, scalar_prefetch = 0 : i64, scratch_operands = 0 : i64, tpu.core_type = #tpu.core_type<tc>, window_params = [{transform_indices = @transform_0, window_bounds = array<i64: 2048, 128>}, {transform_indices = @transform_1, window_bounds = array<i64: 2048, 128>}, {transform_indices = @transform_2, window_bounds = array<i64: 128, 2048>}]} {
    %lt3A = arith.constant 2 : i32
    %lt3A_0 = arith.cmpi slt, %arg0, %lt3A : i32
    %get3A = arith.constant 0 : index
    %get3A_1 = arith.constant 0 : index
    %get3A_2 = vector.load %arg1[%get3A, %get3A_1] : memref<2048x128xf32, #tpu.memory_space<vmem>>, vector<2048x128xf32>
    %get3A_3 = arith.constant 0 : index
    %get3A_4 = arith.constant 0 : index
    %get3A_5 = vector.load %arg2[%get3A_3, %get3A_4] : memref<2048x128xf32, #tpu.memory_space<vmem>>, vector<2048x128xf32>
    %select_n3A = arith.select %lt3A_0, %get3A_2, %get3A_5 : vector<2048x128xf32>
    %transpose3A = tpu.transpose %select_n3A, [1, 0] : vector<2048x128xf32> -> vector<128x2048xf32>
    %swap3A = arith.constant 0 : index
    %swap3A_6 = arith.constant 0 : index
    %swap3A_7 = vector.load %arg3[%swap3A, %swap3A_6] : memref<128x2048xf32, #tpu.memory_space<vmem>>, vector<128x2048xf32>
    tpu.vector_store %arg3[%swap3A, %swap3A_6], %transpose3A {strides = array<i32>} : memref<128x2048xf32, #tpu.memory_space<vmem>>, vector<128x2048xf32>,
    return
  }
  func.func @transform_0(%arg0: i32) -> (i32, i32) {
    %min3A = arith.constant 1 : i32
    %min3A_0 = arith.minsi %arg0, %min3A : i32
    %c0_i32 = arith.constant 0 : i32
    %c0_i32_1 = arith.constant 0 : i32
    return %min3A_0, %c0_i32 : i32, i32
  }
  func.func @transform_1(%arg0: i32) -> (i32, i32) {
    %sub3A = arith.constant 2 : i32
    %sub3A_0 = arith.subi %arg0, %sub3A : i32
    %max3A = arith.constant 0 : i32
    %max3A_1 = arith.maxsi %sub3A_0, %max3A : i32
    %c0_i32 = arith.constant 0 : i32
    %c0_i32_2 = arith.constant 0 : i32
    return %max3A_1, %c0_i32 : i32, i32
  }
  func.func @transform_2(%arg0: i32) -> (i32, i32) {
    %c0_i32 = arith.constant 0 : i32
    %c0_i32_0 = arith.constant 0 : i32
    return %c0_i32, %arg0 : i32, i32
  }
}

</mosaic_0001>

<sc_bundles>
// kernel: kernel.10.cloned.1.call-start
scs
__scs_entry_jumppad:
0x0: {  	(pc) =	sbr.rel $0x88, $3  }
0x1: {  	(tag) =	ssettag $0x0;
	lr =	simm.s32 $0x1  }
0x2: {  	[smem:$0x3F9D] =	sst lr;
	_ =	strace $0xD0000000  }
0x3: {  	_ = 	snop  }
0x4: {  	_ = 	snop  }
0x5: {  	_ = 	snop  }
0x6: {  	_ = 	snop  }
0x7: {  	_ = 	snop  }
__scs_overlays_trampoline_lowered:
0x8: {  	[smem:$0x3FAC] =	sst s0  }
0x9: {  	[smem:$0x3FAD] =	sst s1  }
0xa: {  	[smem:$0x3FAE] =	sst s2  }
0xb: {  	[smem:$0x3FAF] =	sst s3  }
0xc: {  	[smem:$0x3FB0] =	sst s4  }
0xd: {  	[smem:$0x3FB1] =	sst s5  }
0xe: {  	[smem:$0x3FB2] =	sst s6  }
0xf: {  	[smem:$0x3FB3] =	sst s7  }
0x10: {  	[smem:$0x3FB4] =	sst s8  }
0x11: {  	[smem:$0x3FB5] =	sst s9;
	s0 =	simm.s32 @!p0 $0x0  }
0x12: {  	s1 =	sld [smem:$0x3F9B];
	s0 =	simm.s32 @p0 $0x1  }
0x13: {  	[smem:$0x3FB6] =	sst s0;
	s0 =	simm.s32 @!p1 $0x0  }
0x14: {  	s2 =	sld [smem:$0x3F9A];
	s0 =	simm.s32 @p1 $0x1  }
0x15: {  	[smem:$0x3FB7] =	sst s0;
	s0 =	simm.s32 @!p2 $0x0  }
0x16: {  	s3 =	sld [smem:$0x3FDB];
	s0 =	simm.s32 @p2 $0x1  }
0x17: {  	s4 =	simm.s32 $0x1BF5;
	[smem:$0x3FB9] =	sst s0  }
0x18: {  	s0 =	sld [smem:$0x3F9C];
	_ =	swait.ge [sflag:s4], $0x0  }
0x19: {  	s7 =	sld [smem:$0x3F9D]  }
0x1a: {  	s8 =	sadd.s32 $0xFFFFE003, lr  }
0x1b: {  	s9 =	sadd.s32 $0xFFFFFEF7, lr;
	s5 =	simm.s32 $0xFFFFFFFF;
	p2 =	slt.u32 s8, $0xFFFFF086  }
0x1c: {  	p1 =	slt.u32 s9, $0xF7A;
	s5 =	simm.s32 @!p2 $0x0  }
0x1d: {  	s5 =	simm.s32 @p1 $0x1;
	p0 =	seq.s32 s7, s2  }
0x1e: {  	s7 =	smul.u32 @!p0 $0xF7A, s2;
	p2 =	seq.s32 @!p0 s5, $0x0  }
0x1f: {  	s9 =	smul.u32 $0xF7A, s1;
	s8 =	simm.s32 @!p0 $0x1BF5;
	p2 =	por !p2, p0  }
0x20: {  	[sflag:s8] =	ssyncset.s32 @!p0 $0xFFFFF086;
	s6 =	sadd.s32 @!p0 s3, s7;
	s7 =	simm.s32 @!p0 $0x108  }
0x21: {  	s3 =	sadd.s32 s3, s9;
	s6 =	sadd.s32 @!p0 $0x88, s6;
	s7 =	simm.s32 @p2 $0x1082  }
0x22: {  	[simem:s7], [sflag:s8] =	dma.local @!p0 [hbm:s6], $0xF7A  }
0x23: {  	s9 =	sor.u32 $0xD0000000, s2;
	s6 =	simm.s32 $0x108;
	_ =	swait.ge @!p0 [sflag:s8], $0x0  }
0x24: {  	s3 =	sadd.s32 $0x88, s3;
	s6 =	simm.s32 @!p1 $0x1082;
	[sflag:s4] =	ssyncset.s32 $0xFFFFF086  }
0x25: {  	[simem:s6], [sflag:s4] =	dma.local [hbm:s3], $0xF7A  }
0x26: {  	[smem:$0x3F9D] =	sst s1;
	(tag) =	ssettag s2;
	_ =	strace s9  }
0x27: {  	s1 =	sld [smem:$0x3FAD]  }
0x28: {  	s2 =	sld [smem:$0x3FAE]  }
0x29: {  	s4 =	sld [smem:$0x3FB0]  }
0x2a: {  	p0 =	seq.s32 s5, $0x0;
	s5 =	sld [smem:$0x3FB1]  }
0x2b: {  	s6 =	sld [smem:$0x3FB2]  }
0x2c: {  	s7 =	sld [smem:$0x3FB3]  }
0x2d: {  	s3 =	simm.s32 $0x108;
	s8 =	sld [smem:$0x3FB4]  }
0x2e: {  	s3 =	simm.s32 @!p0 $0x1082;
	s9 =	sld [smem:$0x3FB5]  }
0x2f: {  	lr =	sadd.s32 s0, s3;
	s0 =	sld [smem:$0x3FAC]  }
0x30: {  	s3 =	sld [smem:$0x3FAF]  }
0x31: {  	[smem:$0x3FB8] =	sst s10  }
0x32: {  	s10 =	sld [smem:$0x3FB6];
	_ =	sdelay $0x3  }
0x33: {  	p0 =	seq.s32 s10, $0x1;
	s10 =	sld [smem:$0x3FB8];
	_ =	sdelay $0x3  }
0x34: {  	[smem:$0x3FB8] =	sst s10  }
0x35: {  	s10 =	sld [smem:$0x3FB7];
	_ =	sdelay $0x3  }
0x36: {  	p1 =	seq.s32 s10, $0x1;
	s10 =	sld [smem:$0x3FB8];
	_ =	sdelay $0x3  }
0x37: {  	[smem:$0x3FB8] =	sst s10  }
0x38: {  	s10 =	sld [smem:$0x3FB9]  }
0x39: {  	_ = 	snop;
	(pc) =	sbr.ind lr, $3  }
0x3a: {  	_ = 	snop  }
0x3b: {  	_ = 	snop  }
0x3c: {  	p2 =	seq.s32 s10, $0x1;
	s10 =	sld [smem:$0x3FB8]  }
0x3d: {  	_ =	shalt  }
0x3e: {  	_ =	shalt  }
0x3f: {  	_ =	shalt  }
0x40: {  	_ =	shalt  }
0x41: {  	_ =	shalt  }
0x42: {  	_ =	shalt  }
0x43: {  	_ =	shalt  }
0x44: {  	_ =	shalt  }
0x45: {  	_ =	shalt  }
0x46: {  	_ =	shalt  }
0x47: {  	_ =	shalt  }
0x48: {  	_ =	shalt  }
0x49: {  	_ =	shalt  }
0x4a: {  	_ =	shalt  }
0x4b: {  	_ =	shalt  }
0x4c: {  	_ =	shalt  }
0x4d: {  	_ =	shalt  }
0x4e: {  	_ =	shalt  }
0x4f: {  	_ =	shalt  }
0x50: {  	_ =	shalt  }
0x51: {  	_ =	shalt  }
0x52: {  	_ =	shalt  }
0x53: {  	_ =	shalt  }
0x54: {  	_ =	shalt  }
0x55: {  	_ =	shalt  }
0x56: {  	_ =	shalt  }
0x57: {  	_ =	shalt  }
0x58: {  	_ =	shalt  }
0x59: {  	_ =	shalt  }
0x5a: {  	_ =	shalt  }
0x5b: {  	_ =	shalt  }
0x5c: {  	_ =	shalt  }
0x5d: {  	_ =	shalt  }
0x5e: {  	_ =	shalt  }
0x5f: {  	_ =	shalt  }
0x60: {  	_ =	shalt  }
0x61: {  	_ =	shalt  }
0x62: {  	_ =	shalt  }
0x63: {  	_ =	shalt  }
0x64: {  	_ =	shalt  }
0x65: {  	_ =	shalt  }
0x66: {  	_ =	shalt  }
0x67: {  	_ =	shalt  }
0x68: {  	_ =	shalt  }
0x69: {  	_ =	shalt  }
0x6a: {  	_ =	shalt  }
0x6b: {  	_ =	shalt  }
0x6c: {  	_ =	shalt  }
0x6d: {  	_ =	shalt  }
0x6e: {  	_ =	shalt  }
0x6f: {  	_ =	shalt  }
0x70: {  	_ =	shalt  }
0x71: {  	_ =	shalt  }
0x72: {  	_ =	shalt  }
0x73: {  	_ =	shalt  }
0x74: {  	_ =	shalt  }
0x75: {  	_ =	shalt  }
0x76: {  	_ =	shalt  }
0x77: {  	_ =	shalt  }
0x78: {  	_ =	shalt  }
0x79: {  	_ =	shalt  }
0x7a: {  	_ =	shalt  }
0x7b: {  	_ =	shalt  }
0x7c: {  	_ =	shalt  }
0x7d: {  	_ =	shalt  }
0x7e: {  	_ =	shalt  }
0x7f: {  	_ =	shalt  }
0x80: {  	_ =	shalt  }
0x81: {  	_ =	shalt  }
0x82: {  	_ =	shalt  }
0x83: {  	_ =	shalt  }
0x84: {  	_ =	shalt  }
0x85: {  	_ =	shalt  }
0x86: {  	_ =	shalt  }
0x87: {  	_ =	shalt  }
.Lfunc_end0:
.L_simem_size_0:
called_computation.1_lowered:
.L_overlay_start_0:
0x88: {  	s2 =	sld [smem:$0x3FD9]  }
0x89: {  	s3 =	sld [smem:$0x3FFE];
	_ =	sdelay $0x1  }
0x8a: {  	s1 =	srdreg.scid  }
0x8b: {  	s0 =	sand.u32 $0x1, s1  }
0x8c: {  	s17 =	sshll.u32 s0, $0xA;
	s2 =	sadd.s32 s3, s2  }
0x8d: {  	s2 =	sadd.s32 s2, s17  }
0x8e: {  	[smem:$0x3FC4] =	sst s2  }
0x8f: {  	_ = 	snop  }
0x90: {  	s18 =	sld [smem:$0x3FD0];
	(tm) =	ssettm $0x1  }
0x91: {  	s19 =	sld [smem:$0x3FFB];
	_ =	sdelay $0x3  }
0x92: {  	_ =	strace s19  }
0x93: {  	s2 =	sld [smem:$0x3FFC];
	_ =	sdelay $0x3  }
0x94: {  	_ =	strace s2  }
0x95: {  	s2 =	sld [smem:$0x3FFD];
	_ =	sdelay $0x3  }
0x96: {  	_ =	strace s2  }
0x97: {  	_ =	strace $0x8FFFFFFF  }
0x98: {  	s20 =	sld [smem:$0x3FDB];
	_ =	sdelay $0x1  }
0x99: {  	s4 =	simm.s32 $_scs_section_size  }
0x9a: {  	s5 =	simm.s32 $_size__tile_overlayer_lowered;
	s6 =	simm.s32 $_tile_overlayer_lowered  }
0x9b: {  	s7 =	simm.s32 $0x1BFF;
	s21 =	sshll.u32 s6, $0x1;
	s4 =	sadd.s32 s4, s20  }
0x9c: {  	s22 =	simm.s32 $0x0;
	s5 =	sshll.u32 s5, $0x1;
	s6 =	sadd.s32 s21, s4  }
0x9d: {  	[timem:s22], [sflag:s7] =	dma.local [hbm:s6], s5  }
0x9e: {  	_ =	swait.ge [sflag:s7], s5  }
0x9f: {  	s5 =	ssub.s32 $0x0, s5;
	[sflag:s7] =	ssyncset.done $0x0  }
0xa0: {  	[sflag:s7] =	ssyncadd.s32 s5;
	_ =	sdelay $0x1  }
0xa1: {  	s23 =	simm.s32 $0x1B8B  }
0xa2: {  	_ =	swait.ge [sflag:s23], $0x1  }
0xa3: {  	[sflag:s23] =	ssyncset.done $0x0  }
0xa4: {  	[sflag:s23] =	ssyncadd.s32 $0xFFFFFFFF  }
0xa5: {  	s5 =	sld [smem:$0x0]  }
0xa6: {  	s6 =	sand.u32 $0xFFFFFFFE, s1  }
0xa7: {  	p0 =	sne.s32 s1, s6  }
0xa8: {  	s6 =	sshll.u32 @p0 s6, $0xE  }
0xa9: {  	s6 =	sadd.s32 @p0 $0x11B8D, s6;
	s7 =	sshll.u32 @p0 s5, $0x11  }
0xaa: {  	s6 =	sor.u32 @p0 s7, s6  }
0xab: {  	[sflag:s6] =	ssyncadd.remote.s32 @p0 $0x1;
	_ =	sdelay $0x1  }
0xac: {  	s6 =	simm.s32 @p0 $0x1B8D  }
0xad: {  	_ =	swait.eq @p0 [sflag:s6], $0x1  }
0xae: {  	[sflag:s6] =	ssyncadd.s32 @p0 $0xFFFFFFFF  }
0xaf: {  	s7 =	sshll.u32 @!p0 s1, $0xE  }
0xb0: {  	s7 =	sor.u32 @!p0 $0x4000, s7;
	s6 =	simm.s32 @!p0 $0x1B8D  }
0xb1: {  	s5 =	sshll.u32 @!p0 s5, $0x11;
	s7 =	sadd.s32 @!p0 $0x11B8D, s7;
	_ =	swait.eq @!p0 [sflag:s6], $0x1  }
0xb2: {  	s5 =	sor.u32 @!p0 s5, s7;
	[sflag:s6] =	ssyncadd.s32 @!p0 $0xFFFFFFFF  }
0xb3: {  	s25 =	simm.s32 $0x1B8E;
	s24 =	sld [smem:$0x3FFE];
	[sflag:s5] =	ssyncadd.remote.s32 @!p0 $0x1  }
0xb4: {  	s26 =	simm.s32 $execute0_lowered;
	[smem:$0x3FD2] =	sst s25  }
0xb5: {  	s6 =	sshll.u32 s26, $0x1;
	_ =	strace $0x80000049;
	[dreg:$0x1] =	wrdreg $0xFFFFFFFF  }
0xb6: {  	s28 =	simm.s32 $_size_execute0_lowered;
	s4 =	sadd.s32 s4, s6;
	[dreg:$0x0] =	wrdreg $0x0  }
0xb7: {  	s6 =	sshll.u32 s28, $0x1;
	[dreg:$0x2] =	wrdreg s4  }
0xb8: {  	[dreg:$0x3] =	wrdreg s6  }
0xb9: {  	[dreg:$0x4] =	wrdreg $0xC0  }
0xba: {  	_ =	task [dreg:s22], $0x5FFFF  }
0xbb: {  	[dreg:$0x1] =	wrdreg $0xFFFFFFFF  }
0xbc: {  	[dreg:$0x0] =	wrdreg $0x60  }
0xbd: {  	[dreg:$0x2] =	wrdreg s24  }
0xbe: {  	[dreg:$0x3] =	wrdreg s18  }
0xbf: {  	[dreg:$0x4] =	wrdreg $0xA  }
0xc0: {  	_ =	task.clear_ibuf [dreg:s22], $0x5FFFF;
	_ =	strace $0x90000049  }
0xc1: {  	s29 =	simm.s32 $0xA;
	_ =	strace $0x8000004B  }
0xc2: {  	_ =	swait.ge [sflag:s29], $0x1  }
0xc3: {  	[sflag:s29] =	ssyncadd.s32 $0xFFFFFFFF  }
0xc4: {  	_ =	strace $0x9000004B  }
0xc5: {  	_ =	sfence  }
0xc6: {  	s30 =	sld [smem:$0x0];
	_ =	sdelay $0x2  }
0xc7: {  	s31 =	sshll.u32 s1, $0xD;
	s1 =	sshrl.u32 s1, $0x2  }
0xc8: {  	s4 =	sand.u32 $0x4000, s31;
	s1 =	sadd.s32 s1, s30  }
0xc9: {  	s0 =	sor.u32 s4, s0;
	s1 =	sshll.u32 s1, $0x11  }
0xca: {  	s0 =	sor.u32 s1, s0  }
0xcb: {  	s0 =	sadd.s32 $0x8F2B, s0  }
0xcc: {  	[sflag:s0] =	ssyncadd.remote.s32 $0x1  }
0xcd: {  	_ =	sfence.sel $0xFFFF  }
0xce: {  	[dreg:$0x0] =	wrdreg $0xFFFFFFFF;
	(pc) =	sbr.abs _section_cstart, $3  }
0xcf: {  	[dreg:$0x1] =	wrdreg $0xFFFFFFFF  }
0xd0: {  	_ =	task.clear_ibuf [dreg:s22], $0x2FFFF;
	_ =	strace $0x9FFFFFFF  }
0xd1: {  	(tm) =	ssettm $0x7FFFFFFF  }
tec
execute0_lowered:
.L_overlay_start_1:
0x0: {  	(tag) =	ssettag $0x1  }
0x1: {  	s3 =	rddreg [dreg:$0x0]  }
0x2: {  	s8 =	rddreg [dreg:$0x1];
	s2 =	srdreg.scid  }
0x3: {  	s0 =	rddreg [dreg:$0x2];
	s1 =	stileid.u32;
	s12 =	simm.s32 $0x180  }
0x4: {  	s13 =	simm.s32 $0x1;
	s14 =	simm.s32 $0x200;
	s15 =	simm.s32 $0x4200  }
0x5: {  	s16 =	simm.s32 $0x8200;
	s17 =	simm.s32 $0xC200;
	s18 =	simm.s32 $0x2  }
0x6: {  	s19 =	simm.s32 $0x10200;
	s20 =	simm.s32 $0x3;
	s21 =	simm.s32 $0x0  }
0x7: {  	s4 =	sand.u32 $0x1, s2;
	s2 =	simm.s32 $0x0;
	s5 =	sshll.u32 s1, $0x8  }
0x8: {  	s6 =	sshll.u32 s4, $0x7;
	[smem:$0x7FF] =	sst s2;
	s4 =	ssub.s32 $0x2, s4  }
0x9: {  	s7 =	sor.u32 s6, s5;
	_ =	strace $0x8000004A;
	s31 =	sshrl.u32 s4, $0x1  }
0xa: {  	s9 =	sadd.s32 s7, s3;
	s3 =	sadd.s32 $0x1800, s3;
	s10 =	ssub.s32 s4, s31  }
0xb: {  	s11 =	sshll.u32 s7, $0x4;
	s4 =	sadd.s32 $0x1A800, s9;
	s5 =	sadd.s32 $0x1A810, s9  }
0xc: {  	s6 =	sadd.s32 $0x1A820, s9;
	s7 =	sadd.s32 $0x1A830, s9;
	s8 =	sadd.s32 s8, s11  }
0xd: {  	s9 =	smax.u32 s10, $0x1;
	s10 =	simm.s32 $0x80;
	s11 =	simm.s32 $0x100  }
.LBB2_1:
0xe: {  	[tilespmem:s2], [sflag:$0x1] =	stream.linear.gather [hbm4b:s4+s2], $0x80, $0x38;
	[tilespmem:$0x14200] =	vst v63  }
0xf: {  	_ = 	snop  }
0x10: {  	[tilespmem:s10], [sflag:$0x1] =	stream.linear.gather [hbm4b:s5+s2], $0x80, $0x38;
	[tilespmem:$0x14200] =	vst v63  }
0x11: {  	_ = 	snop  }
0x12: {  	[tilespmem:s11], [sflag:$0x1] =	stream.linear.gather [hbm4b:s6+s2], $0x80, $0x38;
	[tilespmem:$0x14200] =	vst v63  }
0x13: {  	_ = 	snop  }
0x14: {  	[tilespmem:s12], [sflag:$0x1] =	stream.linear.gather [hbm4b:s7+s2], $0x80, $0x38;
	[tilespmem:$0x14200] =	vst v63  }
0x15: {  	_ =	swait.ge [sflag:s13], $0x80  }
0x16: {  	[sflag:s13] =	ssyncset.done $0x0  }
0x17: {  	[sflag:s13] =	ssyncadd.s32 $0xFFFFFF80  }
0x18: {  	[tilespmem:s14], [sflag:$0x2] =	stream.indirect.gather [hbm4b:s3+s10], $0x80, s2, s10, $0xb8;
	[tilespmem:$0x14200] =	vst v63  }
0x19: {  	_ =	swait.ge [sflag:s13], $0x80  }
0x1a: {  	[sflag:s13] =	ssyncset.done $0x0  }
0x1b: {  	[sflag:s13] =	ssyncadd.s32 $0xFFFFFF80  }
0x1c: {  	[tilespmem:s15], [sflag:$0x2] =	stream.indirect.gather [hbm4b:s3+s10], $0x80, s10, s10, $0xb8;
	[tilespmem:$0x14200] =	vst v63  }
0x1d: {  	_ =	swait.ge [sflag:s13], $0x80  }
0x1e: {  	[sflag:s13] =	ssyncset.done $0x0  }
0x1f: {  	[sflag:s13] =	ssyncadd.s32 $0xFFFFFF80  }
0x20: {  	[tilespmem:s16], [sflag:$0x2] =	stream.indirect.gather [hbm4b:s3+s10], $0x80, s11, s10, $0xb8;
	[tilespmem:$0x14200] =	vst v63  }
0x21: {  	_ =	swait.ge [sflag:s13], $0x80  }
0x22: {  	[sflag:s13] =	ssyncset.done $0x0  }
0x23: {  	[sflag:s13] =	ssyncadd.s32 $0xFFFFFF80  }
0x24: {  	[tilespmem:s17], [sflag:$0x2] =	stream.indirect.gather [hbm4b:s3+s10], $0x80, s12, s10, $0xb8;
	[tilespmem:$0x14200] =	vst v63  }
0x25: {  	_ =	swait.ge [sflag:s18], $0x4000  }
0x26: {  	[sflag:s18] =	ssyncset.done $0x0  }
0x27: {  	[sflag:s18] =	ssyncadd.s32 $0xFFFFC000  }
0x28: {  	_ =	swait.ge [sflag:s18], $0x4000  }
0x29: {  	[sflag:s18] =	ssyncset.done $0x0  }
0x2a: {  	[sflag:s18] =	ssyncadd.s32 $0xFFFFC000  }
0x2b: {  	_ =	swait.ge [sflag:s18], $0x4000  }
0x2c: {  	[sflag:s18] =	ssyncset.done $0x0  }
0x2d: {  	[sflag:s18] =	ssyncadd.s32 $0xFFFFC000  }
0x2e: {  	_ =	swait.ge [sflag:s18], $0x4000  }
0x2f: {  	[sflag:s18] =	ssyncset.done $0x0  }
0x30: {  	s22 =	simm.s32 $0x0;
	[sflag:s18] =	ssyncadd.s32 $0xFFFFC000  }
0x31: {  	v0 =	vld [tilespmem:s22+$0x270]  }
0x32: {  	v1 =	vld [tilespmem:s22+$0x4270]  }
0x33: {  	v2 =	vld [tilespmem:s22+$0x200]  }
0x34: {  	v3 =	vld [tilespmem:s22+$0x8270]  }
0x35: {  	v4 =	vld [tilespmem:s22+$0x4200]  }
0x36: {  	v5 =	vld [tilespmem:s22+$0xC270]  }
0x37: {  	v6 =	vld [tilespmem:s22+$0x210]  }
0x38: {  	v7 =	vld [tilespmem:s22+$0x220]  }
0x39: {  	v8 =	vld [tilespmem:s22+$0x230]  }
0x3a: {  	v9 =	vld [tilespmem:s22+$0x240]  }
0x3b: {  	v10 =	vld [tilespmem:s22+$0x4240]  }
0x3c: {  	v11 =	vld [tilespmem:s22+$0x250]  }
0x3d: {  	v12 =	vld [tilespmem:s22+$0x260]  }
0x3e: {  	v13 =	vld [tilespmem:s22+$0x4260]  }
0x3f: {  	v14 =	vld [tilespmem:s22+$0x8200]  }
0x40: {  	v15 =	vld [tilespmem:s22+$0x8210]  }
0x41: {  	v16 =	vld [tilespmem:s22+$0x8220];
	v0 =	vadd.f32 v1, v0  }
0x42: {  	v17 =	vld [tilespmem:s22+$0x8230]  }
0x43: {  	v18 =	vld [tilespmem:s22+$0x8240];
	v0 =	vadd.f32 v3, v0  }
0x44: {  	v20 =	vld [tilespmem:s22+$0xC200]  }
0x45: {  	v1 =	vld [tilespmem:s22+$0x4210];
	v0 =	vadd.f32 v5, v0  }
0x46: {  	v3 =	vld [tilespmem:s22+$0x4220]  }
0x47: {  	v2 =	vadd.f32 v4, v2;
	v5 =	vld [tilespmem:s22+$0x4230];
	v0 =	vmul.f32 $2.500000000e-01, v0  }
0x48: {  	v19 =	vld [tilespmem:s22+$0x8250]  }
0x49: {  	v2 =	vadd.f32 v14, v2;
	[tilespmem:s22+$0x10270] =	vst v0;
	v0 =	vld [tilespmem:s22+$0x4250]  }
0x4a: {  	v9 =	vadd.f32 v10, v9;
	v10 =	vld [tilespmem:s22+$0xC210];
	v1 =	vadd.f32 v1, v6  }
0x4b: {  	v4 =	vld [tilespmem:s22+$0x8260];
	v14 =	vadd.f32 v20, v2;
	v3 =	vadd.f32 v3, v7  }
0x4c: {  	v62 =	vld [tilespmem:s22+$0xC220];
	v1 =	vadd.f32 v15, v1;
	v5 =	vadd.f32 v5, v8  }
0x4d: {  	v8 =	vld [tilespmem:s22+$0xC230];
	v63 =	vadd.f32 v16, v3;
	v3 =	vadd.f32 v18, v9  }
0x4e: {  	v7 =	vld [tilespmem:s22+$0xC240];
	v0 =	vadd.f32 v0, v11;
	v11 =	vadd.f32 v13, v12  }
0x4f: {  	v9 =	vadd.f32 v10, v1;
	v6 =	vadd.f32 v17, v5;
	v5 =	vld [tilespmem:s22+$0xC250]  }
0x50: {  	s23 =	simm.s32 $0x80;
	v2 =	vadd.f32 v19, v0;
	v0 =	vadd.f32 v4, v11;
	v4 =	vld [tilespmem:s22+$0xC260]  }
0x51: {  	s24 =	simm.s32 $0x400;
	v1 =	vld [tilespmem:s23+$0x270];
	v10 =	vadd.f32 v62, v63;
	v11 =	vmul.f32 $2.500000000e-01, v14  }
.LBB2_2:
0x52: {  	p0 =	sne.s32 s24, $0xFE00;
	v12 =	vld [tilespmem:s23+$0x4270];
	v9 =	vmul.f32 $2.500000000e-01, v9;
	v6 =	vadd.f32 v8, v6  }
0x53: {  	v8 =	vld [tilespmem:s23+$0x200];
	[tilespmem:s22+$0x10200] =	vst v11;
	v10 =	vmul.f32 $2.500000000e-01, v10;
	v3 =	vadd.f32 v7, v3  }
0x54: {  	v7 =	vld [tilespmem:s23+$0x8270];
	[tilespmem:s22+$0x10210] =	vst v9;
	v6 =	vmul.f32 $2.500000000e-01, v6;
	v2 =	vadd.f32 v5, v2  }
0x55: {  	v5 =	vld [tilespmem:s23+$0x4200];
	[tilespmem:s22+$0x10220] =	vst v10;
	v3 =	vmul.f32 $2.500000000e-01, v3;
	v0 =	vadd.f32 v4, v0  }
0x56: {  	v4 =	vld [tilespmem:s23+$0xC270];
	[tilespmem:s22+$0x10230] =	vst v6;
	v2 =	vmul.f32 $2.500000000e-01, v2  }
0x57: {  	v6 =	vld [tilespmem:s23+$0x210];
	v1 =	vadd.f32 v12, v1;
	[tilespmem:s22+$0x10240] =	vst v3;
	v0 =	vmul.f32 $2.500000000e-01, v0  }
0x58: {  	v3 =	vld [tilespmem:s23+$0x4210];
	[tilespmem:s22+$0x10250] =	vst v2  }
0x59: {  	v2 =	vld [tilespmem:s23+$0x220];
	v1 =	vadd.f32 v7, v1;
	[tilespmem:s22+$0x10260] =	vst v0;
	s22 =	smov.u32 s23  }
0x5a: {  	v0 =	vadd.f32 v5, v8;
	v5 =	vld [tilespmem:s22+$0x4220]  }
0x5b: {  	v7 =	vld [tilespmem:s22+$0x230];
	v1 =	vadd.f32 v4, v1  }
0x5c: {  	v4 =	vld [tilespmem:s22+$0x4230]  }
0x5d: {  	v3 =	vadd.f32 v3, v6;
	v6 =	vld [tilespmem:s22+$0x240];
	v1 =	vmul.f32 $2.500000000e-01, v1  }
0x5e: {  	v8 =	vld [tilespmem:s22+$0x4240]  }
0x5f: {  	v2 =	vadd.f32 v5, v2;
	v5 =	vld [tilespmem:s22+$0x250];
	[tilespmem:s22+$0x10270] =	vst v1  }
0x60: {  	v1 =	vld [tilespmem:s22+$0x4250]  }
0x61: {  	v4 =	vadd.f32 v4, v7;
	v7 =	vld [tilespmem:s22+$0x260]  }
0x62: {  	v9 =	vld [tilespmem:s22+$0x4260]  }
0x63: {  	v10 =	vld [tilespmem:s22+$0x8200];
	v8 =	vadd.f32 v8, v6  }
0x64: {  	v6 =	vld [tilespmem:s22+$0x8210]  }
0x65: {  	v11 =	vld [tilespmem:s22+$0x8220];
	v1 =	vadd.f32 v1, v5  }
0x66: {  	v5 =	vld [tilespmem:s22+$0x8230]  }
0x67: {  	v12 =	vld [tilespmem:s22+$0x8240];
	v9 =	vadd.f32 v9, v7  }
0x68: {  	v10 =	vadd.f32 v10, v0;
	v0 =	vld [tilespmem:s22+$0x8250]  }
0x69: {  	v13 =	vadd.f32 v6, v3;
	v14 =	vld [tilespmem:s22+$0x8260]  }
0x6a: {  	v15 =	vld [tilespmem:s22+$0xC200];
	v16 =	vadd.f32 v11, v2  }
0x6b: {  	v11 =	vld [tilespmem:s22+$0xC210];
	v6 =	vadd.f32 v5, v4  }
0x6c: {  	v17 =	vld [tilespmem:s22+$0xC220];
	v3 =	vadd.f32 v12, v8  }
.Ltmp0:
0x6d: {  	v8 =	vld [tilespmem:s22+$0xC230];
	v2 =	vadd.f32 v0, v1;
	(pc) =	sbr.rel @p0 .LBB2_2-.Ltmp0, $4  }
0x6e: {  	v7 =	vld [tilespmem:s22+$0xC240];
	v0 =	vadd.f32 v14, v9  }
0x6f: {  	v10 =	vadd.f32 v15, v10;
	v5 =	vld [tilespmem:s22+$0xC250]  }
0x70: {  	s23 =	sshra.s32 s24, $0x2;
	v9 =	vadd.f32 v11, v13;
	v4 =	vld [tilespmem:s22+$0xC260]  }
0x71: {  	s24 =	sadd.s32 $0x200, s24;
	v1 =	vld [tilespmem:s23+$0x270];
	v11 =	vmul.f32 $2.500000000e-01, v10;
	v10 =	vadd.f32 v17, v16  }
0x72: {  	v12 =	vld [tilespmem:s23+$0x4270];
	v9 =	vmul.f32 $2.500000000e-01, v9;
	v6 =	vadd.f32 v8, v6  }
0x73: {  	v13 =	vld [tilespmem:s23+$0x200];
	[tilespmem:s22+$0x10200] =	vst v11;
	v38 =	vmul.f32 $2.500000000e-01, v10;
	v3 =	vadd.f32 v7, v3  }
0x74: {  	v11 =	vld [tilespmem:s23+$0x8270];
	[tilespmem:s22+$0x10210] =	vst v9;
	v6 =	vmul.f32 $2.500000000e-01, v6;
	v2 =	vadd.f32 v5, v2  }
0x75: {  	v9 =	vld [tilespmem:s23+$0x4200];
	[tilespmem:s22+$0x10220] =	vst v38;
	v3 =	vmul.f32 $2.500000000e-01, v3;
	v0 =	vadd.f32 v4, v0  }
0x76: {  	v39 =	vld [tilespmem:s23+$0xC270];
	[tilespmem:s22+$0x10230] =	vst v6;
	v2 =	vmul.f32 $2.500000000e-01, v2  }
0x77: {  	v40 =	vld [tilespmem:s23+$0x210];
	[tilespmem:s22+$0x10240] =	vst v3;
	v0 =	vmul.f32 $2.500000000e-01, v0  }
0x78: {  	v3 =	vld [tilespmem:s23+$0x4210];
	[tilespmem:s22+$0x10250] =	vst v2  }
0x79: {  	v2 =	vld [tilespmem:s23+$0x220];
	[tilespmem:s22+$0x10260] =	vst v0  }
0x7a: {  	v42 =	vld [tilespmem:s23+$0x4220]  }
0x7b: {  	v43 =	vld [tilespmem:s23+$0x230]  }
0x7c: {  	v6 =	vld [tilespmem:s23+$0x4230]  }
0x7d: {  	v44 =	vld [tilespmem:s23+$0x240]  }
0x7e: {  	v8 =	vld [tilespmem:s23+$0x4240]  }
0x7f: {  	v45 =	vld [tilespmem:s23+$0x250]  }
0x80: {  	v46 =	vld [tilespmem:s23+$0x4250]  }
0x81: {  	v47 =	vld [tilespmem:s23+$0x260]  }
0x82: {  	v48 =	vld [tilespmem:s23+$0x4260]  }
0x83: {  	v14 =	vld [tilespmem:s23+$0x8200]  }
0x84: {  	v15 =	vld [tilespmem:s23+$0x8210]  }
0x85: {  	v1 =	vadd.f32 v12, v1;
	v16 =	vld [tilespmem:s23+$0x8220]  }
0x86: {  	v17 =	vld [tilespmem:s23+$0x8230]  }
0x87: {  	v41 =	vadd.f32 v11, v1;
	v18 =	vld [tilespmem:s23+$0x8240]  }
0x88: {  	v19 =	vld [tilespmem:s23+$0x8250]  }
0x89: {  	v20 =	vld [tilespmem:s23+$0x8260];
	v0 =	vadd.f32 v39, v41  }
0x8a: {  	v9 =	vadd.f32 v9, v13;
	v49 =	vld [tilespmem:s23+$0xC200]  }
0x8b: {  	v50 =	vld [tilespmem:s23+$0xC210];
	v0 =	vmul.f32 $2.500000000e-01, v0;
	v3 =	vadd.f32 v3, v40;
	v1 =	vadd.f32 v42, v2  }
0x8c: {  	v52 =	vld [tilespmem:s23+$0xC220];
	v4 =	vadd.f32 v6, v43;
	v51 =	vadd.f32 v8, v44  }
0x8d: {  	v54 =	vld [tilespmem:s23+$0xC230];
	[tilespmem:s23+$0x10270] =	vst v0;
	v0 =	vadd.f32 v46, v45;
	v53 =	vadd.f32 v14, v9  }
0x8e: {  	v56 =	vld [tilespmem:s23+$0xC240];
	v55 =	vadd.f32 v48, v47;
	v3 =	vadd.f32 v15, v3  }
0x8f: {  	v57 =	vld [tilespmem:s23+$0xC250];
	v1 =	vadd.f32 v16, v1;
	v7 =	vadd.f32 v49, v53  }
0x90: {  	v58 =	vld [tilespmem:s23+$0xC260];
	v4 =	vadd.f32 v17, v4;
	v2 =	vadd.f32 v50, v3  }
0x91: {  	v5 =	vadd.f32 v18, v51;
	v1 =	vadd.f32 v52, v1;
	v59 =	vmul.f32 $2.500000000e-01, v7  }
0x92: {  	v0 =	vadd.f32 v19, v0;
	v2 =	vmul.f32 $2.500000000e-01, v2;
	v4 =	vadd.f32 v54, v4  }
0x93: {  	v60 =	vadd.f32 v20, v55;
	v5 =	vadd.f32 v56, v5;
	[tilespmem:s23+$0x10200] =	vst v59;
	v1 =	vmul.f32 $2.500000000e-01, v1  }
0x94: {  	v0 =	vadd.f32 v57, v0;
	[tilespmem:s23+$0x10210] =	vst v2;
	v61 =	vmul.f32 $2.500000000e-01, v4  }
0x95: {  	v3 =	vadd.f32 v58, v60;
	v62 =	vmul.f32 $2.500000000e-01, v5;
	[tilespmem:s23+$0x10220] =	vst v1  }
0x96: {  	v0 =	vmul.f32 $2.500000000e-01, v0;
	[tilespmem:s23+$0x10230] =	vst v61  }
0x97: {  	s21 =	sadd.s32 $0x1, s21;
	v63 =	vmul.f32 $2.500000000e-01, v3;
	[tilespmem:s23+$0x10240] =	vst v62  }
0x98: {  	p0 =	sne.s32 s21, s9;
	[tilespmem:s23+$0x10250] =	vst v0  }
.Ltmp1:
0x99: {  	[tilespmem:s23+$0x10260] =	vst v63;
	(pc) =	sbr.rel @p0 .LBB2_1-.Ltmp1, $4  }
0x9a: {  	[hbm4b:s8+s2] =	stream.linear.scatter [tilespmem:s19], [sflag:$0x3], $0x4000, $0x38;
	[tilespmem:$0x14200] =	vst v63  }
0x9b: {  	_ =	swait.ge [sflag:s20], $0x4000  }
0x9c: {  	[sflag:s20] =	ssyncset.done $0x0  }
0x9d: {  	[sflag:s20] =	ssyncadd.s32 $0xFFFFC000  }
0x9e: {  	_ =	sfence.sel $0x180000  }
0x9f: {  	[bflag:$0x0] =	sbarrier.arrive $0xFFFF  }
0xa0: {  	p0 =	sne.s32 s1, $0x0;
	_ =	strace $0x9000004A  }
0xa1: {  	s0 =	sadd.s32 @!p0 $0x100000, s0;
	[bflag:$0x2] =	sbarrier.arrive $0xFFFF  }
0xa2: {  	[sflag:s0] =	ssyncadd.tile.s32 @!p0 $0x1;
	_ =	shalt  }
.Lfunc_end2:
_tile_overlayer_lowered:
.L_overlay_start_2:
0xa3: {  	(tag) =	ssettag $0x2  }
0xa4: {  	s0 =	rddreg [dreg:$0x0];
	s2 =	stileid.u32  }
0xa5: {  	s1 =	rddreg [dreg:$0x1];
	p0 =	sne.s32 s2, $0x0  }
0xa6: {  	s3 =	rddreg [dreg:$0x2];
	[bflag:$0x3] =	sbarrier.arrive $0xFFFF;
	s2 =	simm.s32 @!p0 $0x1C03  }
0xa7: {  	[timem:s3], [sflag:s2] =	dma.local @!p0 [hbm:s0], s1  }
0xa8: {  	s0 =	simm.s32 @!p0 $0x3  }
0xa9: {  	_ =	swait.ge @!p0 [sflag:s0], s1  }
0xaa: {  	s1 =	ssub.s32 @!p0 $0x0, s1;
	[sflag:s0] =	ssyncset.done @!p0 $0x0  }
0xab: {  	[sflag:s0] =	ssyncadd.s32 @!p0 s1  }
0xac: {  	[bflag:$0x3] =	sbarrier.arrive $0xFFFF  }
0xad: {  	_ =	shalt  }

// kernel: kernel.7.cloned.1.call-start
scs
__scs_entry_jumppad:
0x0: {  	(pc) =	sbr.rel $0x88, $3  }
0x1: {  	(tag) =	ssettag $0x0;
	lr =	simm.s32 $0x1  }
0x2: {  	[smem:$0x3F9D] =	sst lr;
	_ =	strace $0xD0000000  }
0x3: {  	_ = 	snop  }
0x4: {  	_ = 	snop  }
0x5: {  	_ = 	snop  }
0x6: {  	_ = 	snop  }
0x7: {  	_ = 	snop  }
__scs_overlays_trampoline_lowered:
0x8: {  	[smem:$0x3FAC] =	sst s0  }
0x9: {  	[smem:$0x3FAD] =	sst s1  }
0xa: {  	[smem:$0x3FAE] =	sst s2  }
0xb: {  	[smem:$0x3FAF] =	sst s3  }
0xc: {  	[smem:$0x3FB0] =	sst s4  }
0xd: {  	[smem:$0x3FB1] =	sst s5  }
0xe: {  	[smem:$0x3FB2] =	sst s6  }
0xf: {  	[smem:$0x3FB3] =	sst s7  }
0x10: {  	[smem:$0x3FB4] =	sst s8  }
0x11: {  	[smem:$0x3FB5] =	sst s9;
	s0 =	simm.s32 @!p0 $0x0  }
0x12: {  	s1 =	sld [smem:$0x3F9B];
	s0 =	simm.s32 @p0 $0x1  }
0x13: {  	[smem:$0x3FB6] =	sst s0;
	s0 =	simm.s32 @!p1 $0x0  }
0x14: {  	s2 =	sld [smem:$0x3F9A];
	s0 =	simm.s32 @p1 $0x1  }
0x15: {  	[smem:$0x3FB7] =	sst s0;
	s0 =	simm.s32 @!p2 $0x0  }
0x16: {  	s3 =	sld [smem:$0x3FDB];
	s0 =	simm.s32 @p2 $0x1  }
0x17: {  	s4 =	simm.s32 $0x1BF5;
	[smem:$0x3FB9] =	sst s0  }
0x18: {  	s0 =	sld [smem:$0x3F9C];
	_ =	swait.ge [sflag:s4], $0x0  }
0x19: {  	s7 =	sld [smem:$0x3F9D]  }
0x1a: {  	s8 =	sadd.s32 $0xFFFFE003, lr  }
0x1b: {  	s9 =	sadd.s32 $0xFFFFFEF7, lr;
	s5 =	simm.s32 $0xFFFFFFFF;
	p2 =	slt.u32 s8, $0xFFFFF086  }
0x1c: {  	p1 =	slt.u32 s9, $0xF7A;
	s5 =	simm.s32 @!p2 $0x0  }
0x1d: {  	s5 =	simm.s32 @p1 $0x1;
	p0 =	seq.s32 s7, s2  }
0x1e: {  	s7 =	smul.u32 @!p0 $0xF7A, s2;
	p2 =	seq.s32 @!p0 s5, $0x0  }
0x1f: {  	s9 =	smul.u32 $0xF7A, s1;
	s8 =	simm.s32 @!p0 $0x1BF5;
	p2 =	por !p2, p0  }
0x20: {  	[sflag:s8] =	ssyncset.s32 @!p0 $0xFFFFF086;
	s6 =	sadd.s32 @!p0 s3, s7;
	s7 =	simm.s32 @!p0 $0x108  }
0x21: {  	s3 =	sadd.s32 s3, s9;
	s6 =	sadd.s32 @!p0 $0x88, s6;
	s7 =	simm.s32 @p2 $0x1082  }
0x22: {  	[simem:s7], [sflag:s8] =	dma.local @!p0 [hbm:s6], $0xF7A  }
0x23: {  	s9 =	sor.u32 $0xD0000000, s2;
	s6 =	simm.s32 $0x108;
	_ =	swait.ge @!p0 [sflag:s8], $0x0  }
0x24: {  	s3 =	sadd.s32 $0x88, s3;
	s6 =	simm.s32 @!p1 $0x1082;
	[sflag:s4] =	ssyncset.s32 $0xFFFFF086  }
0x25: {  	[simem:s6], [sflag:s4] =	dma.local [hbm:s3], $0xF7A  }
0x26: {  	[smem:$0x3F9D] =	sst s1;
	(tag) =	ssettag s2;
	_ =	strace s9  }
0x27: {  	s1 =	sld [smem:$0x3FAD]  }
0x28: {  	s2 =	sld [smem:$0x3FAE]  }
0x29: {  	s4 =	sld [smem:$0x3FB0]  }
0x2a: {  	p0 =	seq.s32 s5, $0x0;
	s5 =	sld [smem:$0x3FB1]  }
0x2b: {  	s6 =	sld [smem:$0x3FB2]  }
0x2c: {  	s7 =	sld [smem:$0x3FB3]  }
0x2d: {  	s3 =	simm.s32 $0x108;
	s8 =	sld [smem:$0x3FB4]  }
0x2e: {  	s3 =	simm.s32 @!p0 $0x1082;
	s9 =	sld [smem:$0x3FB5]  }
0x2f: {  	lr =	sadd.s32 s0, s3;
	s0 =	sld [smem:$0x3FAC]  }
0x30: {  	s3 =	sld [smem:$0x3FAF]  }
0x31: {  	[smem:$0x3FB8] =	sst s10  }
0x32: {  	s10 =	sld [smem:$0x3FB6];
	_ =	sdelay $0x3  }
0x33: {  	p0 =	seq.s32 s10, $0x1;
	s10 =	sld [smem:$0x3FB8];
	_ =	sdelay $0x3  }
0x34: {  	[smem:$0x3FB8] =	sst s10  }
0x35: {  	s10 =	sld [smem:$0x3FB7];
	_ =	sdelay $0x3  }
0x36: {  	p1 =	seq.s32 s10, $0x1;
	s10 =	sld [smem:$0x3FB8];
	_ =	sdelay $0x3  }
0x37: {  	[smem:$0x3FB8] =	sst s10  }
0x38: {  	s10 =	sld [smem:$0x3FB9]  }
0x39: {  	_ = 	snop;
	(pc) =	sbr.ind lr, $3  }
0x3a: {  	_ = 	snop  }
0x3b: {  	_ = 	snop  }
0x3c: {  	p2 =	seq.s32 s10, $0x1;
	s10 =	sld [smem:$0x3FB8]  }
0x3d: {  	_ =	shalt  }
0x3e: {  	_ =	shalt  }
0x3f: {  	_ =	shalt  }
0x40: {  	_ =	shalt  }
0x41: {  	_ =	shalt  }
0x42: {  	_ =	shalt  }
0x43: {  	_ =	shalt  }
0x44: {  	_ =	shalt  }
0x45: {  	_ =	shalt  }
0x46: {  	_ =	shalt  }
0x47: {  	_ =	shalt  }
0x48: {  	_ =	shalt  }
0x49: {  	_ =	shalt  }
0x4a: {  	_ =	shalt  }
0x4b: {  	_ =	shalt  }
0x4c: {  	_ =	shalt  }
0x4d: {  	_ =	shalt  }
0x4e: {  	_ =	shalt  }
0x4f: {  	_ =	shalt  }
0x50: {  	_ =	shalt  }
0x51: {  	_ =	shalt  }
0x52: {  	_ =	shalt  }
0x53: {  	_ =	shalt  }
0x54: {  	_ =	shalt  }
0x55: {  	_ =	shalt  }
0x56: {  	_ =	shalt  }
0x57: {  	_ =	shalt  }
0x58: {  	_ =	shalt  }
0x59: {  	_ =	shalt  }
0x5a: {  	_ =	shalt  }
0x5b: {  	_ =	shalt  }
0x5c: {  	_ =	shalt  }
0x5d: {  	_ =	shalt  }
0x5e: {  	_ =	shalt  }
0x5f: {  	_ =	shalt  }
0x60: {  	_ =	shalt  }
0x61: {  	_ =	shalt  }
0x62: {  	_ =	shalt  }
0x63: {  	_ =	shalt  }
0x64: {  	_ =	shalt  }
0x65: {  	_ =	shalt  }
0x66: {  	_ =	shalt  }
0x67: {  	_ =	shalt  }
0x68: {  	_ =	shalt  }
0x69: {  	_ =	shalt  }
0x6a: {  	_ =	shalt  }
0x6b: {  	_ =	shalt  }
0x6c: {  	_ =	shalt  }
0x6d: {  	_ =	shalt  }
0x6e: {  	_ =	shalt  }
0x6f: {  	_ =	shalt  }
0x70: {  	_ =	shalt  }
0x71: {  	_ =	shalt  }
0x72: {  	_ =	shalt  }
0x73: {  	_ =	shalt  }
0x74: {  	_ =	shalt  }
0x75: {  	_ =	shalt  }
0x76: {  	_ =	shalt  }
0x77: {  	_ =	shalt  }
0x78: {  	_ =	shalt  }
0x79: {  	_ =	shalt  }
0x7a: {  	_ =	shalt  }
0x7b: {  	_ =	shalt  }
0x7c: {  	_ =	shalt  }
0x7d: {  	_ =	shalt  }
0x7e: {  	_ =	shalt  }
0x7f: {  	_ =	shalt  }
0x80: {  	_ =	shalt  }
0x81: {  	_ =	shalt  }
0x82: {  	_ =	shalt  }
0x83: {  	_ =	shalt  }
0x84: {  	_ =	shalt  }
0x85: {  	_ =	shalt  }
0x86: {  	_ =	shalt  }
0x87: {  	_ =	shalt  }
.Lfunc_end0:
.L_simem_size_0:
called_computation_lowered:
.L_overlay_start_0:
0x88: {  	s2 =	sld [smem:$0x3FD9]  }
0x89: {  	s3 =	sld [smem:$0x3FFE];
	_ =	sdelay $0x1  }
0x8a: {  	s1 =	srdreg.scid  }
0x8b: {  	s0 =	sand.u32 $0x1, s1  }
0x8c: {  	s16 =	sshll.u32 s0, $0xA;
	s2 =	sadd.s32 s3, s2  }
0x8d: {  	s2 =	sadd.s32 s2, s16  }
0x8e: {  	[smem:$0x3FC4] =	sst s2  }
0x8f: {  	_ = 	snop  }
0x90: {  	(tm) =	ssettm $0x1  }
0x91: {  	s17 =	sld [smem:$0x3FFB];
	_ =	sdelay $0x3  }
0x92: {  	_ =	strace s17  }
0x93: {  	s2 =	sld [smem:$0x3FFC];
	_ =	sdelay $0x3  }
0x94: {  	_ =	strace s2  }
0x95: {  	s2 =	sld [smem:$0x3FFD];
	_ =	sdelay $0x3  }
0x96: {  	_ =	strace s2  }
0x97: {  	_ =	strace $0x8FFFFFFF  }
0x98: {  	s18 =	sld [smem:$0x3FDB];
	_ =	sdelay $0x1  }
0x99: {  	s19 =	simm.s32 $_scs_section_size  }
0x9a: {  	s4 =	simm.s32 $_size__tile_overlayer_lowered;
	s5 =	simm.s32 $_tile_overlayer_lowered  }
0x9b: {  	s22 =	simm.s32 $0x1BFF;
	s21 =	sshll.u32 s5, $0x1;
	s2 =	sadd.s32 s19, s18  }
0x9c: {  	s6 =	simm.s32 $0x0;
	s20 =	sshll.u32 s4, $0x1;
	s4 =	sadd.s32 s21, s2  }
0x9d: {  	[timem:s6], [sflag:s22] =	dma.local [hbm:s4], s20  }
0x9e: {  	_ =	swait.ge [sflag:s22], s20  }
0x9f: {  	s3 =	ssub.s32 $0x0, s20;
	[sflag:s22] =	ssyncset.done $0x0  }
0xa0: {  	[sflag:s22] =	ssyncadd.s32 s3;
	_ =	sdelay $0x1  }
0xa1: {  	s23 =	simm.s32 $0x1B8B  }
0xa2: {  	_ =	swait.ge [sflag:s23], $0x1  }
0xa3: {  	[sflag:s23] =	ssyncset.done $0x0  }
0xa4: {  	s25 =	simm.s32 $0x1B8E;
	s24 =	sld [smem:$0x3FFE];
	[sflag:s23] =	ssyncadd.s32 $0xFFFFFFFF  }
0xa5: {  	s26 =	simm.s32 $execute0_lowered;
	[smem:$0x3FD2] =	sst s25  }
0xa6: {  	s4 =	sshll.u32 s26, $0x1;
	_ =	strace $0x80000046;
	[dreg:$0x1] =	wrdreg $0xFFFFFFFF  }
0xa7: {  	s28 =	simm.s32 $_size_execute0_lowered;
	s2 =	sadd.s32 s2, s4;
	[dreg:$0x0] =	wrdreg $0x0  }
0xa8: {  	s4 =	sshll.u32 s28, $0x1;
	[dreg:$0x2] =	wrdreg s2  }
0xa9: {  	[dreg:$0x3] =	wrdreg s4  }
0xaa: {  	[dreg:$0x4] =	wrdreg $0xC0  }
0xab: {  	_ =	task [dreg:s6], $0x5FFFF  }
0xac: {  	[dreg:$0x1] =	wrdreg $0xFFFFFFFF  }
0xad: {  	[dreg:$0x0] =	wrdreg $0x60  }
0xae: {  	[dreg:$0x2] =	wrdreg s24  }
0xaf: {  	[dreg:$0x3] =	wrdreg $0x9  }
0xb0: {  	_ =	task.clear_ibuf [dreg:s6], $0x4FFFF;
	_ =	strace $0x90000046  }
0xb1: {  	s29 =	simm.s32 $0x9;
	_ =	strace $0x80000048  }
0xb2: {  	_ =	swait.ge [sflag:s29], $0x1  }
0xb3: {  	[sflag:s29] =	ssyncadd.s32 $0xFFFFFFFF  }
0xb4: {  	_ =	strace $0x90000048  }
0xb5: {  	_ =	sfence  }
0xb6: {  	s30 =	sld [smem:$0x0];
	_ =	sdelay $0x2  }
0xb7: {  	s31 =	sshll.u32 s1, $0xD;
	s1 =	sshrl.u32 s1, $0x2  }
0xb8: {  	s3 =	sand.u32 $0x4000, s31;
	s1 =	sadd.s32 s1, s30  }
0xb9: {  	s0 =	sor.u32 s3, s0;
	s1 =	sshll.u32 s1, $0x11  }
0xba: {  	s0 =	sor.u32 s1, s0  }
0xbb: {  	s0 =	sadd.s32 $0x8F2B, s0  }
0xbc: {  	[sflag:s0] =	ssyncadd.remote.s32 $0x1  }
0xbd: {  	_ =	sfence.sel $0xFFFF  }
0xbe: {  	[dreg:$0x0] =	wrdreg $0xFFFFFFFF;
	(pc) =	sbr.abs _section_cstart, $3  }
0xbf: {  	[dreg:$0x1] =	wrdreg $0xFFFFFFFF  }
0xc0: {  	_ =	task.clear_ibuf [dreg:s6], $0x2FFFF;
	_ =	strace $0x9FFFFFFF  }
0xc1: {  	(tm) =	ssettm $0x7FFFFFFF  }
tec
execute0_lowered:
.L_overlay_start_1:
0x0: {  	(tag) =	ssettag $0x1  }
0x1: {  	s4 =	rddreg [dreg:$0x0]  }
0x2: {  	s0 =	rddreg [dreg:$0x1];
	s3 =	srdreg.scid  }
0x3: {  	s2 =	simm.s32 $0x0;
	s1 =	stileid.u32;
	s12 =	simm.s32 $0x180  }
0x4: {  	s13 =	simm.s32 $0x1;
	s14 =	simm.s32 $0x200;
	s15 =	simm.s32 $0x4200  }
0x5: {  	s16 =	simm.s32 $0x8200;
	s17 =	simm.s32 $0xC200;
	s18 =	simm.s32 $0x2  }
0x6: {  	s19 =	simm.s32 $0x10200;
	s20 =	simm.s32 $0x3;
	s21 =	simm.s32 $0x0  }
0x7: {  	s3 =	sand.u32 $0x1, s3;
	[smem:$0x7FF] =	sst s2;
	s5 =	sshll.u32 s1, $0x8  }
0x8: {  	s6 =	sshll.u32 s3, $0x7;
	_ =	strace $0x80000047;
	s31 =	ssub.s32 $0x2, s3  }
0x9: {  	s3 =	sadd.s32 $0x1800, s4;
	s5 =	sor.u32 s6, s5;
	s8 =	sshrl.u32 s31, $0x1  }
0xa: {  	s7 =	sshll.u32 s5, $0x4;
	s9 =	sadd.s32 s5, s4;
	s11 =	ssub.s32 s31, s8  }
0xb: {  	s10 =	sadd.s32 s7, s4;
	s4 =	sadd.s32 $0x9800, s9;
	s5 =	sadd.s32 $0x9810, s9  }
0xc: {  	s6 =	sadd.s32 $0x9820, s9;
	s7 =	sadd.s32 $0x9830, s9;
	s9 =	smax.u32 s11, $0x1  }
0xd: {  	s11 =	simm.s32 $0x100;
	s8 =	sadd.s32 $0xA800, s10;
	s10 =	simm.s32 $0x80  }
.LBB2_1:
0xe: {  	[tilespmem:s2], [sflag:$0x1] =	stream.linear.gather [hbm4b:s4+s2], $0x80, $0x38;
	[tilespmem:$0x14200] =	vst v63  }
0xf: {  	_ = 	snop  }
0x10: {  	[tilespmem:s10], [sflag:$0x1] =	stream.linear.gather [hbm4b:s5+s2], $0x80, $0x38;
	[tilespmem:$0x14200] =	vst v63  }
0x11: {  	_ = 	snop  }
0x12: {  	[tilespmem:s11], [sflag:$0x1] =	stream.linear.gather [hbm4b:s6+s2], $0x80, $0x38;
	[tilespmem:$0x14200] =	vst v63  }
0x13: {  	_ = 	snop  }
0x14: {  	[tilespmem:s12], [sflag:$0x1] =	stream.linear.gather [hbm4b:s7+s2], $0x80, $0x38;
	[tilespmem:$0x14200] =	vst v63  }
0x15: {  	_ =	swait.ge [sflag:s13], $0x80  }
0x16: {  	[sflag:s13] =	ssyncset.done $0x0  }
0x17: {  	[sflag:s13] =	ssyncadd.s32 $0xFFFFFF80  }
0x18: {  	[tilespmem:s14], [sflag:$0x2] =	stream.indirect.gather [hbm4b:s3+s10], $0x80, s2, s10, $0xb8;
	[tilespmem:$0x14200] =	vst v63  }
0x19: {  	_ =	swait.ge [sflag:s13], $0x80  }
0x1a: {  	[sflag:s13] =	ssyncset.done $0x0  }
0x1b: {  	[sflag:s13] =	ssyncadd.s32 $0xFFFFFF80  }
0x1c: {  	[tilespmem:s15], [sflag:$0x2] =	stream.indirect.gather [hbm4b:s3+s10], $0x80, s10, s10, $0xb8;
	[tilespmem:$0x14200] =	vst v63  }
0x1d: {  	_ =	swait.ge [sflag:s13], $0x80  }
0x1e: {  	[sflag:s13] =	ssyncset.done $0x0  }
0x1f: {  	[sflag:s13] =	ssyncadd.s32 $0xFFFFFF80  }
0x20: {  	[tilespmem:s16], [sflag:$0x2] =	stream.indirect.gather [hbm4b:s3+s10], $0x80, s11, s10, $0xb8;
	[tilespmem:$0x14200] =	vst v63  }
0x21: {  	_ =	swait.ge [sflag:s13], $0x80  }
0x22: {  	[sflag:s13] =	ssyncset.done $0x0  }
0x23: {  	[sflag:s13] =	ssyncadd.s32 $0xFFFFFF80  }
0x24: {  	[tilespmem:s17], [sflag:$0x2] =	stream.indirect.gather [hbm4b:s3+s10], $0x80, s12, s10, $0xb8;
	[tilespmem:$0x14200] =	vst v63  }
0x25: {  	_ =	swait.ge [sflag:s18], $0x4000  }
0x26: {  	[sflag:s18] =	ssyncset.done $0x0  }
0x27: {  	[sflag:s18] =	ssyncadd.s32 $0xFFFFC000  }
0x28: {  	_ =	swait.ge [sflag:s18], $0x4000  }
0x29: {  	[sflag:s18] =	ssyncset.done $0x0  }
0x2a: {  	[sflag:s18] =	ssyncadd.s32 $0xFFFFC000  }
0x2b: {  	_ =	swait.ge [sflag:s18], $0x4000  }
0x2c: {  	[sflag:s18] =	ssyncset.done $0x0  }
0x2d: {  	[sflag:s18] =	ssyncadd.s32 $0xFFFFC000  }
0x2e: {  	_ =	swait.ge [sflag:s18], $0x4000  }
0x2f: {  	[sflag:s18] =	ssyncset.done $0x0  }
0x30: {  	s22 =	simm.s32 $0x0;
	[sflag:s18] =	ssyncadd.s32 $0xFFFFC000  }
0x31: {  	v0 =	vld [tilespmem:s22+$0x270]  }
0x32: {  	v1 =	vld [tilespmem:s22+$0x4270]  }
0x33: {  	v2 =	vld [tilespmem:s22+$0x200]  }
0x34: {  	v3 =	vld [tilespmem:s22+$0x8270]  }
0x35: {  	v4 =	vld [tilespmem:s22+$0x4200]  }
0x36: {  	v5 =	vld [tilespmem:s22+$0xC270]  }
0x37: {  	v6 =	vld [tilespmem:s22+$0x210]  }
0x38: {  	v7 =	vld [tilespmem:s22+$0x220]  }
0x39: {  	v8 =	vld [tilespmem:s22+$0x230]  }
0x3a: {  	v9 =	vld [tilespmem:s22+$0x240]  }
0x3b: {  	v10 =	vld [tilespmem:s22+$0x4240]  }
0x3c: {  	v11 =	vld [tilespmem:s22+$0x250]  }
0x3d: {  	v12 =	vld [tilespmem:s22+$0x260]  }
0x3e: {  	v13 =	vld [tilespmem:s22+$0x4260]  }
0x3f: {  	v14 =	vld [tilespmem:s22+$0x8200]  }
0x40: {  	v15 =	vld [tilespmem:s22+$0x8210]  }
0x41: {  	v16 =	vld [tilespmem:s22+$0x8220];
	v0 =	vadd.f32 v1, v0  }
0x42: {  	v17 =	vld [tilespmem:s22+$0x8230]  }
0x43: {  	v18 =	vld [tilespmem:s22+$0x8240];
	v0 =	vadd.f32 v3, v0  }
0x44: {  	v20 =	vld [tilespmem:s22+$0xC200]  }
0x45: {  	v1 =	vld [tilespmem:s22+$0x4210];
	v0 =	vadd.f32 v5, v0  }
0x46: {  	v3 =	vld [tilespmem:s22+$0x4220]  }
0x47: {  	v2 =	vadd.f32 v4, v2;
	v5 =	vld [tilespmem:s22+$0x4230];
	v0 =	vmul.f32 $2.500000000e-01, v0  }
0x48: {  	v19 =	vld [tilespmem:s22+$0x8250]  }
0x49: {  	v2 =	vadd.f32 v14, v2;
	[tilespmem:s22+$0x10270] =	vst v0;
	v0 =	vld [tilespmem:s22+$0x4250]  }
0x4a: {  	v9 =	vadd.f32 v10, v9;
	v10 =	vld [tilespmem:s22+$0xC210];
	v1 =	vadd.f32 v1, v6  }
0x4b: {  	v4 =	vld [tilespmem:s22+$0x8260];
	v14 =	vadd.f32 v20, v2;
	v3 =	vadd.f32 v3, v7  }
0x4c: {  	v62 =	vld [tilespmem:s22+$0xC220];
	v1 =	vadd.f32 v15, v1;
	v5 =	vadd.f32 v5, v8  }
0x4d: {  	v8 =	vld [tilespmem:s22+$0xC230];
	v63 =	vadd.f32 v16, v3;
	v3 =	vadd.f32 v18, v9  }
0x4e: {  	v7 =	vld [tilespmem:s22+$0xC240];
	v0 =	vadd.f32 v0, v11;
	v11 =	vadd.f32 v13, v12  }
0x4f: {  	v9 =	vadd.f32 v10, v1;
	v6 =	vadd.f32 v17, v5;
	v5 =	vld [tilespmem:s22+$0xC250]  }
0x50: {  	s23 =	simm.s32 $0x80;
	v2 =	vadd.f32 v19, v0;
	v0 =	vadd.f32 v4, v11;
	v4 =	vld [tilespmem:s22+$0xC260]  }
0x51: {  	s24 =	simm.s32 $0x400;
	v1 =	vld [tilespmem:s23+$0x270];
	v10 =	vadd.f32 v62, v63;
	v11 =	vmul.f32 $2.500000000e-01, v14  }
.LBB2_2:
0x52: {  	p0 =	sne.s32 s24, $0xFE00;
	v12 =	vld [tilespmem:s23+$0x4270];
	v9 =	vmul.f32 $2.500000000e-01, v9;
	v6 =	vadd.f32 v8, v6  }
0x53: {  	v8 =	vld [tilespmem:s23+$0x200];
	[tilespmem:s22+$0x10200] =	vst v11;
	v10 =	vmul.f32 $2.500000000e-01, v10;
	v3 =	vadd.f32 v7, v3  }
0x54: {  	v7 =	vld [tilespmem:s23+$0x8270];
	[tilespmem:s22+$0x10210] =	vst v9;
	v6 =	vmul.f32 $2.500000000e-01, v6;
	v2 =	vadd.f32 v5, v2  }
0x55: {  	v5 =	vld [tilespmem:s23+$0x4200];
	[tilespmem:s22+$0x10220] =	vst v10;
	v3 =	vmul.f32 $2.500000000e-01, v3;
	v0 =	vadd.f32 v4, v0  }
0x56: {  	v4 =	vld [tilespmem:s23+$0xC270];
	[tilespmem:s22+$0x10230] =	vst v6;
	v2 =	vmul.f32 $2.500000000e-01, v2  }
0x57: {  	v6 =	vld [tilespmem:s23+$0x210];
	v1 =	vadd.f32 v12, v1;
	[tilespmem:s22+$0x10240] =	vst v3;
	v0 =	vmul.f32 $2.500000000e-01, v0  }
0x58: {  	v3 =	vld [tilespmem:s23+$0x4210];
	[tilespmem:s22+$0x10250] =	vst v2  }
0x59: {  	v2 =	vld [tilespmem:s23+$0x220];
	v1 =	vadd.f32 v7, v1;
	[tilespmem:s22+$0x10260] =	vst v0;
	s22 =	smov.u32 s23  }
0x5a: {  	v0 =	vadd.f32 v5, v8;
	v5 =	vld [tilespmem:s22+$0x4220]  }
0x5b: {  	v7 =	vld [tilespmem:s22+$0x230];
	v1 =	vadd.f32 v4, v1  }
0x5c: {  	v4 =	vld [tilespmem:s22+$0x4230]  }
0x5d: {  	v3 =	vadd.f32 v3, v6;
	v6 =	vld [tilespmem:s22+$0x240];
	v1 =	vmul.f32 $2.500000000e-01, v1  }
0x5e: {  	v8 =	vld [tilespmem:s22+$0x4240]  }
0x5f: {  	v2 =	vadd.f32 v5, v2;
	v5 =	vld [tilespmem:s22+$0x250];
	[tilespmem:s22+$0x10270] =	vst v1  }
0x60: {  	v1 =	vld [tilespmem:s22+$0x4250]  }
0x61: {  	v4 =	vadd.f32 v4, v7;
	v7 =	vld [tilespmem:s22+$0x260]  }
0x62: {  	v9 =	vld [tilespmem:s22+$0x4260]  }
0x63: {  	v10 =	vld [tilespmem:s22+$0x8200];
	v8 =	vadd.f32 v8, v6  }
0x64: {  	v6 =	vld [tilespmem:s22+$0x8210]  }
0x65: {  	v11 =	vld [tilespmem:s22+$0x8220];
	v1 =	vadd.f32 v1, v5  }
0x66: {  	v5 =	vld [tilespmem:s22+$0x8230]  }
0x67: {  	v12 =	vld [tilespmem:s22+$0x8240];
	v9 =	vadd.f32 v9, v7  }
0x68: {  	v10 =	vadd.f32 v10, v0;
	v0 =	vld [tilespmem:s22+$0x8250]  }
0x69: {  	v13 =	vadd.f32 v6, v3;
	v14 =	vld [tilespmem:s22+$0x8260]  }
0x6a: {  	v15 =	vld [tilespmem:s22+$0xC200];
	v16 =	vadd.f32 v11, v2  }
0x6b: {  	v11 =	vld [tilespmem:s22+$0xC210];
	v6 =	vadd.f32 v5, v4  }
0x6c: {  	v17 =	vld [tilespmem:s22+$0xC220];
	v3 =	vadd.f32 v12, v8  }
.Ltmp0:
0x6d: {  	v8 =	vld [tilespmem:s22+$0xC230];
	v2 =	vadd.f32 v0, v1;
	(pc) =	sbr.rel @p0 .LBB2_2-.Ltmp0, $4  }
0x6e: {  	v7 =	vld [tilespmem:s22+$0xC240];
	v0 =	vadd.f32 v14, v9  }
0x6f: {  	v10 =	vadd.f32 v15, v10;
	v5 =	vld [tilespmem:s22+$0xC250]  }
0x70: {  	s23 =	sshra.s32 s24, $0x2;
	v9 =	vadd.f32 v11, v13;
	v4 =	vld [tilespmem:s22+$0xC260]  }
0x71: {  	s24 =	sadd.s32 $0x200, s24;
	v1 =	vld [tilespmem:s23+$0x270];
	v11 =	vmul.f32 $2.500000000e-01, v10;
	v10 =	vadd.f32 v17, v16  }
0x72: {  	v12 =	vld [tilespmem:s23+$0x4270];
	v9 =	vmul.f32 $2.500000000e-01, v9;
	v6 =	vadd.f32 v8, v6  }
0x73: {  	v13 =	vld [tilespmem:s23+$0x200];
	[tilespmem:s22+$0x10200] =	vst v11;
	v38 =	vmul.f32 $2.500000000e-01, v10;
	v3 =	vadd.f32 v7, v3  }
0x74: {  	v11 =	vld [tilespmem:s23+$0x8270];
	[tilespmem:s22+$0x10210] =	vst v9;
	v6 =	vmul.f32 $2.500000000e-01, v6;
	v2 =	vadd.f32 v5, v2  }
0x75: {  	v9 =	vld [tilespmem:s23+$0x4200];
	[tilespmem:s22+$0x10220] =	vst v38;
	v3 =	vmul.f32 $2.500000000e-01, v3;
	v0 =	vadd.f32 v4, v0  }
0x76: {  	v39 =	vld [tilespmem:s23+$0xC270];
	[tilespmem:s22+$0x10230] =	vst v6;
	v2 =	vmul.f32 $2.500000000e-01, v2  }
0x77: {  	v40 =	vld [tilespmem:s23+$0x210];
	[tilespmem:s22+$0x10240] =	vst v3;
	v0 =	vmul.f32 $2.500000000e-01, v0  }
0x78: {  	v3 =	vld [tilespmem:s23+$0x4210];
	[tilespmem:s22+$0x10250] =	vst v2  }
0x79: {  	v2 =	vld [tilespmem:s23+$0x220];
	[tilespmem:s22+$0x10260] =	vst v0  }
0x7a: {  	v42 =	vld [tilespmem:s23+$0x4220]  }
0x7b: {  	v43 =	vld [tilespmem:s23+$0x230]  }
0x7c: {  	v6 =	vld [tilespmem:s23+$0x4230]  }
0x7d: {  	v44 =	vld [tilespmem:s23+$0x240]  }
0x7e: {  	v8 =	vld [tilespmem:s23+$0x4240]  }
0x7f: {  	v45 =	vld [tilespmem:s23+$0x250]  }
0x80: {  	v46 =	vld [tilespmem:s23+$0x4250]  }
0x81: {  	v47 =	vld [tilespmem:s23+$0x260]  }
0x82: {  	v48 =	vld [tilespmem:s23+$0x4260]  }
0x83: {  	v14 =	vld [tilespmem:s23+$0x8200]  }
0x84: {  	v15 =	vld [tilespmem:s23+$0x8210]  }
0x85: {  	v1 =	vadd.f32 v12, v1;
	v16 =	vld [tilespmem:s23+$0x8220]  }
0x86: {  	v17 =	vld [tilespmem:s23+$0x8230]  }
0x87: {  	v41 =	vadd.f32 v11, v1;
	v18 =	vld [tilespmem:s23+$0x8240]  }
0x88: {  	v19 =	vld [tilespmem:s23+$0x8250]  }
0x89: {  	v20 =	vld [tilespmem:s23+$0x8260];
	v0 =	vadd.f32 v39, v41  }
0x8a: {  	v9 =	vadd.f32 v9, v13;
	v49 =	vld [tilespmem:s23+$0xC200]  }
0x8b: {  	v50 =	vld [tilespmem:s23+$0xC210];
	v0 =	vmul.f32 $2.500000000e-01, v0;
	v3 =	vadd.f32 v3, v40;
	v1 =	vadd.f32 v42, v2  }
0x8c: {  	v52 =	vld [tilespmem:s23+$0xC220];
	v4 =	vadd.f32 v6, v43;
	v51 =	vadd.f32 v8, v44  }
0x8d: {  	v54 =	vld [tilespmem:s23+$0xC230];
	[tilespmem:s23+$0x10270] =	vst v0;
	v0 =	vadd.f32 v46, v45;
	v53 =	vadd.f32 v14, v9  }
0x8e: {  	v56 =	vld [tilespmem:s23+$0xC240];
	v55 =	vadd.f32 v48, v47;
	v3 =	vadd.f32 v15, v3  }
0x8f: {  	v57 =	vld [tilespmem:s23+$0xC250];
	v1 =	vadd.f32 v16, v1;
	v7 =	vadd.f32 v49, v53  }
0x90: {  	v58 =	vld [tilespmem:s23+$0xC260];
	v4 =	vadd.f32 v17, v4;
	v2 =	vadd.f32 v50, v3  }
0x91: {  	v5 =	vadd.f32 v18, v51;
	v1 =	vadd.f32 v52, v1;
	v59 =	vmul.f32 $2.500000000e-01, v7  }
0x92: {  	v0 =	vadd.f32 v19, v0;
	v2 =	vmul.f32 $2.500000000e-01, v2;
	v4 =	vadd.f32 v54, v4  }
0x93: {  	v60 =	vadd.f32 v20, v55;
	v5 =	vadd.f32 v56, v5;
	[tilespmem:s23+$0x10200] =	vst v59;
	v1 =	vmul.f32 $2.500000000e-01, v1  }
0x94: {  	v0 =	vadd.f32 v57, v0;
	[tilespmem:s23+$0x10210] =	vst v2;
	v61 =	vmul.f32 $2.500000000e-01, v4  }
0x95: {  	v3 =	vadd.f32 v58, v60;
	v62 =	vmul.f32 $2.500000000e-01, v5;
	[tilespmem:s23+$0x10220] =	vst v1  }
0x96: {  	v0 =	vmul.f32 $2.500000000e-01, v0;
	[tilespmem:s23+$0x10230] =	vst v61  }
0x97: {  	s21 =	sadd.s32 $0x1, s21;
	v63 =	vmul.f32 $2.500000000e-01, v3;
	[tilespmem:s23+$0x10240] =	vst v62  }
0x98: {  	p0 =	sne.s32 s21, s9;
	[tilespmem:s23+$0x10250] =	vst v0  }
.Ltmp1:
0x99: {  	[tilespmem:s23+$0x10260] =	vst v63;
	(pc) =	sbr.rel @p0 .LBB2_1-.Ltmp1, $4  }
0x9a: {  	[hbm4b:s8+s2] =	stream.linear.scatter [tilespmem:s19], [sflag:$0x3], $0x4000, $0x38;
	[tilespmem:$0x14200] =	vst v63  }
0x9b: {  	_ =	swait.ge [sflag:s20], $0x4000  }
0x9c: {  	[sflag:s20] =	ssyncset.done $0x0  }
0x9d: {  	[sflag:s20] =	ssyncadd.s32 $0xFFFFC000  }
0x9e: {  	_ =	sfence.sel $0x180000  }
0x9f: {  	[bflag:$0x0] =	sbarrier.arrive $0xFFFF  }
0xa0: {  	p0 =	sne.s32 s1, $0x0;
	_ =	strace $0x90000047  }
0xa1: {  	s0 =	sadd.s32 @!p0 $0x100000, s0;
	[bflag:$0x2] =	sbarrier.arrive $0xFFFF  }
0xa2: {  	[sflag:s0] =	ssyncadd.tile.s32 @!p0 $0x1;
	_ =	shalt  }
.Lfunc_end2:
_tile_overlayer_lowered:
.L_overlay_start_2:
0xa3: {  	(tag) =	ssettag $0x2  }
0xa4: {  	s0 =	rddreg [dreg:$0x0];
	s2 =	stileid.u32  }
0xa5: {  	s1 =	rddreg [dreg:$0x1];
	p0 =	sne.s32 s2, $0x0  }
0xa6: {  	s3 =	rddreg [dreg:$0x2];
	[bflag:$0x3] =	sbarrier.arrive $0xFFFF;
	s2 =	simm.s32 @!p0 $0x1C03  }
0xa7: {  	[timem:s3], [sflag:s2] =	dma.local @!p0 [hbm:s0], s1  }
0xa8: {  	s0 =	simm.s32 @!p0 $0x3  }
0xa9: {  	_ =	swait.ge @!p0 [sflag:s0], s1  }
0xaa: {  	s1 =	ssub.s32 @!p0 $0x0, s1;
	[sflag:s0] =	ssyncset.done @!p0 $0x0  }
0xab: {  	[sflag:s0] =	ssyncadd.s32 @!p0 s1  }
0xac: {  	[bflag:$0x3] =	sbarrier.arrive $0xFFFF  }
0xad: {  	_ =	shalt  }

</sc_bundles>
